<compile_context>
chip_gen: v7x
topology: tpu7x:2x2x1
jax: 0.10.2.dev20260603
libtpu: 0.0.44.dev20260713+nightly
codegen_flags: <defaults>
</compile_context>

<pallas_src>
import functools

import numpy as np
import jax
import jax.numpy as jnp
from jax import lax
from jax.experimental import pallas as pl
from jax.experimental.pallas import tpu as pltpu
from jax.experimental.pallas import tpu_sc as plsc

_N = 16384
_MAXP = 128
_NEAR = np.float32(2.0)
_FAR = np.float32(6.0)
_CELL = np.float32(3.0) / np.float32(128.0)
_STEP = np.float32(np.sqrt(np.float32(3.0) * _CELL * _CELL) * np.float32(0.5))
_N_STEPS = int(np.ceil((6.0 - 2.0) / float(_STEP))) + 1
_INV_STEP = np.float32(1.0) / _STEP
_INV_CELL = np.float32(1.0) / _CELL

_TTAB_NP = np.full((256,), 1.0e9, dtype=np.float32)
_t = _NEAR
_TTAB_NP[0] = _t
for _k in range(1, _N_STEPS + 1):
    _t = np.float32(_t + _STEP)
    _TTAB_NP[_k] = _t
_K_FAR = max(k for k in range(1, _N_STEPS + 1) if _TTAB_NP[k - 1] < _FAR)
_T_GATE = float(_TTAB_NP[_K_FAR + 1])

_NC, _NS, _L = 2, 16, 16
_NW = _NC * _NS
_RPW = _N // _NW
_VPW = _RPW // _L
_NWORDS = (128 * 128 * 128) // 32

_tv = np.linspace(0.0, 1.0, _MAXP, dtype=np.float32)
_e = (np.float32(1.0) - _tv).astype(np.float32)
_f = (np.float32(6.0) * _tv).astype(np.float32)
_am = (np.float32(0.5) * (_e[1:] + _e[:-1])).astype(np.float32)
_bm = (np.float32(0.5) * (_f[1:] + _f[:-1])).astype(np.float32)
_au = np.concatenate([_am, _e[-1:]]).astype(np.float32)
_bu = np.concatenate([_bm, _f[-1:]]).astype(np.float32)
_al = np.concatenate([_e[:1], _am]).astype(np.float32)
_bl = np.concatenate([_f[:1], _bm]).astype(np.float32)
_COEF_NP = np.stack([_al, _au - _al, _bl, _bu - _bl]).astype(np.float32)

@functools.cache
def _make_sc_march():
    mesh = plsc.VectorSubcoreMesh(core_axis_name="c", subcore_axis_name="s",
                                  num_cores=_NC, num_subcores=_NS)
    return functools.partial(
        pl.kernel,
        out_type=jax.ShapeDtypeStruct((_N,), jnp.float32),
        mesh=mesh,
        compiler_params=pltpu.CompilerParams(needs_layout_passes=False),
        scratch_types=[
        pltpu.VMEM((_RPW,), jnp.float32),
        pltpu.VMEM((_RPW,), jnp.float32),
        pltpu.VMEM((_RPW,), jnp.float32),
        pltpu.VMEM((_RPW,), jnp.float32),
        pltpu.VMEM((_RPW,), jnp.float32),
        pltpu.VMEM((_RPW,), jnp.float32),
        pltpu.VMEM((4, 128, 128), jnp.int32),
        pltpu.VMEM((256,), jnp.float32),
        pltpu.VMEM((_RPW,), jnp.float32),
        ],
    )(_sc_march_body)


def _sc_march_body(rd_h, gw_h, tt_h, out_h,
                   ox_v, oy_v, oz_v, dx_v, dy_v, dz_v, gw_v, tt_v, nn_v):
    wid = lax.axis_index("s") * _NC + lax.axis_index("c")
    base = wid * _RPW
    pltpu.sync_copy(rd_h.at[pl.ds(base, _RPW)], ox_v)
    pltpu.sync_copy(rd_h.at[pl.ds(_N + base, _RPW)], oy_v)
    pltpu.sync_copy(rd_h.at[pl.ds(2 * _N + base, _RPW)], oz_v)
    pltpu.sync_copy(rd_h.at[pl.ds(3 * _N + base, _RPW)], dx_v)
    pltpu.sync_copy(rd_h.at[pl.ds(4 * _N + base, _RPW)], dy_v)
    pltpu.sync_copy(rd_h.at[pl.ds(5 * _N + base, _RPW)], dz_v)
    pltpu.sync_copy(gw_h, gw_v)
    pltpu.sync_copy(tt_h, tt_v)

    blo = jnp.float32(-1.501)
    bhi = jnp.float32(1.501)

    def per_vec(v, carry):
        sl = pl.ds(v * _L, _L)
        ox, oy, oz = ox_v[sl], oy_v[sl], oz_v[sl]
        dx, dy, dz = dx_v[sl], dy_v[sl], dz_v[sl]

        invc = jnp.float32(_INV_CELL)
        ax_c = (ox + jnp.float32(1.5)) * invc
        ay_c = (oy + jnp.float32(1.5)) * invc
        az_c = (oz + jnp.float32(1.5)) * invc
        bx_c = dx * invc
        by_c = dy * invc
        bz_c = dz * invc

        def safe(dd):
            tiny = jnp.float32(1e-12)
            mag = jnp.maximum(jnp.abs(dd), tiny)
            return jnp.where(dd < 0, -mag, mag)

        ix_ = jnp.float32(1.0) / safe(dx)
        iy_ = jnp.float32(1.0) / safe(dy)
        iz_ = jnp.float32(1.0) / safe(dz)
        ax1 = (blo - ox) * ix_
        ax2 = (bhi - ox) * ix_
        ay1 = (blo - oy) * iy_
        ay2 = (bhi - oy) * iy_
        az1 = (blo - oz) * iz_
        az2 = (bhi - oz) * iz_
        t_en = jnp.maximum(jnp.maximum(jnp.minimum(ax1, ax2),
                                       jnp.minimum(ay1, ay2)),
                           jnp.minimum(az1, az2))
        t_ex = jnp.minimum(jnp.minimum(jnp.maximum(ax1, ax2),
                                       jnp.maximum(ay1, ay2)),
                           jnp.minimum(jnp.maximum(az1, az2),
                                       jnp.float32(_FAR)))
        isect = (t_en <= t_ex) & (t_ex >= jnp.float32(_NEAR))
        khi = jnp.minimum(((t_ex - _NEAR) * _INV_STEP).astype(jnp.int32) + 2,
                          jnp.int32(_K_FAR))
        khi = jnp.where(isect, khi, jnp.int32(0))
        klo = jnp.maximum(((t_en - _NEAR) * _INV_STEP).astype(jnp.int32) - 1,
                          jnp.int32(1))
        k0 = jnp.minimum(klo, jnp.int32(_K_FAR))
        t0 = plsc.load_gather(tt_v, [k0 - 1])
        t_end = plsc.load_gather(tt_v, [khi])
        nn0 = jnp.full((_L,), _NEAR, jnp.float32)
        tgate = jnp.float32(_T_GATE)

        def probe(tn):
            fx = ax_c + bx_c * tn
            fy = ay_c + by_c * tn
            fz = az_c + bz_c * tn
            fmin = jnp.minimum(jnp.minimum(fx, fy), fz)
            fmax = jnp.maximum(jnp.maximum(fx, fy), fz)
            valid = (fmin >= 0) & (fmax < 128)
            ix = fx.astype(jnp.int32)
            iy = jnp.where(valid, fy.astype(jnp.int32), jnp.int32(0))
            iz = jnp.where(valid, fz.astype(jnp.int32), jnp.int32(0))
            m = ix & jnp.int32(3)
            bit = lax.shift_right_logical(ix & jnp.int32(127), jnp.int32(2))
            w = plsc.load_gather(gw_v, [m, iy, iz])
            occ = (lax.shift_right_logical(w, bit) & jnp.int32(1)) != 0
            return valid & occ

        def cond(c):
            t, nohit, _2 = c
            return jnp.any(nohit & (t < t_end))

        def body(c):
            t, nohit, nn = c
            ta = t + _STEP
            tb = ta + _STEP
            tc = tb + _STEP
            td = tc + _STEP
            pa, pb, pc, pd = probe(ta), probe(tb), probe(tc), probe(td)
            hit_a = nohit & pa & (ta < tgate)
            n1 = nohit & (~hit_a)
            hit_b = n1 & pb & (tb < tgate)
            n2 = n1 & (~hit_b)
            hit_c = n2 & pc & (tc < tgate)
            n3 = n2 & (~hit_c)
            hit_d = n3 & pd & (td < tgate)
            nn = jnp.where(hit_a, jnp.maximum(ta - _STEP, _NEAR),
                 jnp.where(hit_b, jnp.maximum(tb - _STEP, _NEAR),
                 jnp.where(hit_c, jnp.maximum(tc - _STEP, _NEAR),
                 jnp.where(hit_d, jnp.maximum(td - _STEP, _NEAR), nn))))
            nohit = n3 & (~hit_d)
            return (td, nohit, nn)

        _, _, nn_f = lax.while_loop(cond, body, (t0, isect, nn0))
        nn_v[sl] = nn_f
        return carry

    lax.fori_loop(0, _VPW, per_vec, 0)
    pltpu.sync_copy(nn_v, out_h.at[pl.ds(base, _RPW)])


_BLK = 4096


def _tc_body(en_ref, tr_ref, od_ref, coef_ref, z_ref, p_ref):
    en = en_ref[...]
    tr = tr_ref[...]
    al = coef_ref[0:1, :]
    da = coef_ref[1:2, :]
    bl = coef_ref[2:3, :]
    db = coef_ref[3:4, :]
    z = en * (al + da * tr) + (bl + db * tr)
    z_ref[...] = z
    p_ref[0, :, :] = od_ref[0, :, 0:1] + od_ref[1, :, 0:1] * z
    p_ref[1, :, :] = od_ref[0, :, 1:2] + od_ref[1, :, 1:2] * z
    p_ref[2, :, :] = od_ref[0, :, 2:3] + od_ref[1, :, 2:3] * z


def _tc_sample(en, t_rand, od3):
    nblk = _N // _BLK
    row = pl.BlockSpec((_BLK, _MAXP), lambda i: (i, 0))
    return pl.pallas_call(
        _tc_body,
        grid=(nblk,),
        in_specs=[pl.BlockSpec((_BLK, 1), lambda i: (i, 0)), row,
                  pl.BlockSpec((2, _BLK, 3), lambda i: (0, i, 0)),
                  pl.BlockSpec((4, _MAXP), lambda i: (0, 0))],
        out_specs=[row, pl.BlockSpec((3, _BLK, _MAXP), lambda i: (0, i, 0))],
        out_shape=[jax.ShapeDtypeStruct((_N, _MAXP), jnp.float32),
                   jax.ShapeDtypeStruct((3, _N, _MAXP), jnp.float32)],
    )(en, t_rand, od3, jnp.asarray(_COEF_NP))


_PC = 128


def _pack_body(*refs):
    w_ref = refs[32]
    acc = refs[0][...].astype(jnp.int32)
    for j in range(1, 32):
        acc = acc + (refs[j][...].astype(jnp.int32) << j)
    w_ref[...] = acc


def _pack_grid(occ_i8):
    nb = 128 // _PC
    spec = [pl.BlockSpec((4, 128, _PC), lambda i, jj=j: (jj, 0, i))
            for j in range(32)]
    return pl.pallas_call(
        _pack_body,
        grid=(nb,),
        in_specs=spec,
        out_specs=pl.BlockSpec((4, 128, _PC), lambda i: (0, 0, i)),
        out_shape=jax.ShapeDtypeStruct((4, 128, 128), jnp.int32),
    )(*([occ_i8] * 32))


def kernel(xyz, viewdirs, occ_grid, t_rand):
    o3 = xyz[0]
    d3 = viewdirs[0]
    packed = _pack_grid(occ_grid.view(jnp.int8))
    rays_flat = jnp.concatenate(
        [jnp.transpose(o3).reshape(3 * _N), jnp.transpose(d3).reshape(3 * _N)])
    en = _make_sc_march()(rays_flat, packed, jnp.asarray(_TTAB_NP))
    zs, pt = _tc_sample(en[:, None], t_rand, jnp.stack([o3, d3]))
    return (jnp.transpose(pt, (1, 2, 0)), zs)

# --- scband reference (transcript-rebuilt; emitter-appended) ---
"""Pipeline reference for scband-sampler-34694745817295 (READ-ONLY COPY).

The authoritative reference and input builder live on the scoring server;
editing this copy changes nothing except your own understanding.
"""

import jax, jax.numpy as jnp
import numpy as np

AABB_MIN_NP = np.array([-1.5, -1.5, -1.5], dtype=np.float32)
AABB_MAX_NP = np.array([1.5, 1.5, 1.5], dtype=np.float32)
RES_NP = np.array([128, 128, 128], dtype=np.int32)
NEAR = 2.0
FAR = 6.0
MAX_POINTS = 128
STEP_NP = float(np.linalg.norm((AABB_MAX_NP - AABB_MIN_NP) / RES_NP.astype(np.float32)) * 0.5)
N_STEPS = int(np.ceil((FAR - NEAR) / STEP_NP)) + 1

AABB_MIN = jnp.asarray(AABB_MIN_NP)
AABB_MAX = jnp.asarray(AABB_MAX_NP)
RES = jnp.asarray(RES_NP)


def setup_inputs(seed: int = 0):
    key = jax.random.key(seed)
    k1, k2, k3, k4 = jax.random.split(key, 4)
    N = 16384
    o = jax.random.normal(k1, (1, N, 3), dtype=jnp.float32)
    rays_o = o / (jnp.linalg.norm(o, axis=-1, keepdims=True) + 1e-8) * 4.0
    d = -rays_o + 0.3 * jax.random.normal(k2, (1, N, 3), dtype=jnp.float32)
    viewdirs = d / (jnp.linalg.norm(d, axis=-1, keepdims=True) + 1e-8)
    occ_grid = jax.random.bernoulli(k3, 0.1, (128, 128, 128))
    t_rand = jax.random.uniform(k4, (N, MAX_POINTS), dtype=jnp.float32)
    return {"xyz": rays_o, "viewdirs": viewdirs, "occ_grid": occ_grid, "t_rand": t_rand}


def _ray_match(rays_o, rays_d, near, far, occ_grid):
    cell_size = (AABB_MAX - AABB_MIN) / RES.astype(jnp.float32)
    step = jnp.linalg.norm(cell_size) * 0.5

    def body(i, carry):
        t, new_near, active = carry
        t_next = t + step
        pts = rays_o + rays_d * t_next[:, None]
        idx = jnp.floor((pts - AABB_MIN) / cell_size).astype(jnp.int32)
        valid = jnp.all(idx >= 0, axis=-1) & jnp.all(idx < RES, axis=-1)
        ic = jnp.clip(idx, 0, RES - 1)
        occ = occ_grid[ic[:, 0], ic[:, 1], ic[:, 2]]
        hit = active & valid & occ
        new_near = jnp.where(hit, jnp.maximum(t_next - step, near), new_near)
        active = active & (~hit) & (t_next < far)
        t = jnp.where(active, t_next, t)
        return (t, new_near, active)

    t0 = near
    nn0 = near
    act0 = jnp.ones_like(near, dtype=bool)
    _, new_near, _ = jax.lax.fori_loop(0, N_STEPS, body, (t0, nn0, act0))
    return new_near


def reference(xyz, viewdirs, occ_grid, t_rand):
    rays_o = xyz[0]
    vd = viewdirs[0]
    N = rays_o.shape[0]
    near = jnp.full((N,), NEAR, dtype=jnp.float32)
    far = jnp.full((N,), FAR, dtype=jnp.float32)
    effective_near = jax.lax.stop_gradient(_ray_match(rays_o, vd, near, far, occ_grid))
    t_vals = jnp.linspace(0.0, 1.0, MAX_POINTS, dtype=jnp.float32)
    z_vals = effective_near[:, None] * (1.0 - t_vals) + far[:, None] * t_vals
    mids = 0.5 * (z_vals[..., 1:] + z_vals[..., :-1])
    upper = jnp.concatenate([mids, z_vals[..., -1:]], axis=-1)
    lower = jnp.concatenate([z_vals[..., :1], mids], axis=-1)
    z_vals = lower + (upper - lower) * t_rand
    pts = rays_o[:, None, :] + vd[:, None, :] * z_vals[..., None]
    return (pts, z_vals)

if __name__ == "__main__":
    import jax
    _d = setup_inputs()
    print(jax.jit(kernel)(*tuple(_d.values())))

</pallas_src>

<mosaic_0001>
#map = affine_map<(d0, d1) -> (0)>
#map1 = affine_map<(d0, d1) -> (0, 0, 0)>
module attributes {stable_mosaic.version = 14 : i64} {
  func.func @_sc_march_body(%arg0: i32, %arg1: i32, %arg2: memref<98304xf32, #tpu.memory_space<hbm>>, %arg3: memref<4x128x128xi32, #tpu.memory_space<hbm>>, %arg4: memref<256xf32, #tpu.memory_space<hbm>>, %arg5: memref<16384xf32, #tpu.memory_space<hbm>>, %arg6: memref<512xf32, #tpu.memory_space<vmem>>, %arg7: memref<512xf32, #tpu.memory_space<vmem>>, %arg8: memref<512xf32, #tpu.memory_space<vmem>>, %arg9: memref<512xf32, #tpu.memory_space<vmem>>, %arg10: memref<512xf32, #tpu.memory_space<vmem>>, %arg11: memref<512xf32, #tpu.memory_space<vmem>>, %arg12: memref<4x128x128xi32, #tpu.memory_space<vmem>>, %arg13: memref<256xf32, #tpu.memory_space<vmem>>, %arg14: memref<512xf32, #tpu.memory_space<vmem>>) attributes {dimension_semantics = [#tpu.dimension_semantics<core_parallel>, #tpu.dimension_semantics<subcore_parallel>], iteration_bounds = array<i64: 2, 16>, scalar_prefetch = 0 : i64, scratch_operands = 9 : i64, tpu.core_type = #tpu.core_type<sc_vector_subcore>, window_params = [{transform_indices = #map}, {transform_indices = #map1}, {transform_indices = #map}, {transform_indices = #map}]} {
    %mul3A = arith.constant 2 : i32
    %mul3A_0 = arith.muli %arg1, %mul3A : i32
    %add3A = arith.addi %mul3A_0, %arg0 : i32
    %mul3A_1 = arith.constant 512 : i32
    %mul3A_2 = arith.muli %add3A, %mul3A_1 : i32
    "tpu.region"() ({
      %run_scoped3A = tpu.sem_alloc : memref<!tpu.dma_semaphore, #tpu.memory_space<semaphore_mem>>
      %dma_start3A = tpu.memref_slice %arg2[%mul3A_2] : memref<98304xf32, #tpu.memory_space<hbm>> -> memref<512xf32, #tpu.memory_space<hbm>>
      %dma_start3A_20 = tpu.memref_slice %arg2[%mul3A_2] : memref<98304xf32, #tpu.memory_space<hbm>> -> memref<512xf32, #tpu.memory_space<hbm>>
      tpu.enqueue_dma source(%dma_start3A_20 : memref<512xf32, #tpu.memory_space<hbm>>) target(%arg6 : memref<512xf32, #tpu.memory_space<vmem>>) target_semaphore(%run_scoped3A : memref<!tpu.dma_semaphore, #tpu.memory_space<semaphore_mem>>)
      %dma_wait3A = tpu.memref_slice %arg2[%mul3A_2] : memref<98304xf32, #tpu.memory_space<hbm>> -> memref<512xf32, #tpu.memory_space<hbm>>
      %dma_wait3A_21 = tpu.memref_slice %arg2[%mul3A_2] : memref<98304xf32, #tpu.memory_space<hbm>> -> memref<512xf32, #tpu.memory_space<hbm>>
      tpu.wait_dma2 semaphore(%run_scoped3A : memref<!tpu.dma_semaphore, #tpu.memory_space<semaphore_mem>>) src(%dma_wait3A_21 : memref<512xf32, #tpu.memory_space<hbm>>) dst(%arg6 : memref<512xf32, #tpu.memory_space<vmem>>)
      tpu.yield
    }) : () -> ()
    %add3A_3 = arith.constant 16384 : i32
    %add3A_4 = arith.addi %add3A_3, %mul3A_2 : i32
    "tpu.region"() ({
      %run_scoped3A = tpu.sem_alloc : memref<!tpu.dma_semaphore, #tpu.memory_space<semaphore_mem>>
      %dma_start3A = tpu.memref_slice %arg2[%add3A_4] : memref<98304xf32, #tpu.memory_space<hbm>> -> memref<512xf32, #tpu.memory_space<hbm>>
      %dma_start3A_20 = tpu.memref_slice %arg2[%add3A_4] : memref<98304xf32, #tpu.memory_space<hbm>> -> memref<512xf32, #tpu.memory_space<hbm>>
      tpu.enqueue_dma source(%dma_start3A_20 : memref<512xf32, #tpu.memory_space<hbm>>) target(%arg7 : memref<512xf32, #tpu.memory_space<vmem>>) target_semaphore(%run_scoped3A : memref<!tpu.dma_semaphore, #tpu.memory_space<semaphore_mem>>)
      %dma_wait3A = tpu.memref_slice %arg2[%add3A_4] : memref<98304xf32, #tpu.memory_space<hbm>> -> memref<512xf32, #tpu.memory_space<hbm>>
      %dma_wait3A_21 = tpu.memref_slice %arg2[%add3A_4] : memref<98304xf32, #tpu.memory_space<hbm>> -> memref<512xf32, #tpu.memory_space<hbm>>
      tpu.wait_dma2 semaphore(%run_scoped3A : memref<!tpu.dma_semaphore, #tpu.memory_space<semaphore_mem>>) src(%dma_wait3A_21 : memref<512xf32, #tpu.memory_space<hbm>>) dst(%arg7 : memref<512xf32, #tpu.memory_space<vmem>>)
      tpu.yield
    }) : () -> ()
    %add3A_5 = arith.constant 32768 : i32
    %add3A_6 = arith.addi %add3A_5, %mul3A_2 : i32
    "tpu.region"() ({
      %run_scoped3A = tpu.sem_alloc : memref<!tpu.dma_semaphore, #tpu.memory_space<semaphore_mem>>
      %dma_start3A = tpu.memref_slice %arg2[%add3A_6] : memref<98304xf32, #tpu.memory_space<hbm>> -> memref<512xf32, #tpu.memory_space<hbm>>
      %dma_start3A_20 = tpu.memref_slice %arg2[%add3A_6] : memref<98304xf32, #tpu.memory_space<hbm>> -> memref<512xf32, #tpu.memory_space<hbm>>
      tpu.enqueue_dma source(%dma_start3A_20 : memref<512xf32, #tpu.memory_space<hbm>>) target(%arg8 : memref<512xf32, #tpu.memory_space<vmem>>) target_semaphore(%run_scoped3A : memref<!tpu.dma_semaphore, #tpu.memory_space<semaphore_mem>>)
      %dma_wait3A = tpu.memref_slice %arg2[%add3A_6] : memref<98304xf32, #tpu.memory_space<hbm>> -> memref<512xf32, #tpu.memory_space<hbm>>
      %dma_wait3A_21 = tpu.memref_slice %arg2[%add3A_6] : memref<98304xf32, #tpu.memory_space<hbm>> -> memref<512xf32, #tpu.memory_space<hbm>>
      tpu.wait_dma2 semaphore(%run_scoped3A : memref<!tpu.dma_semaphore, #tpu.memory_space<semaphore_mem>>) src(%dma_wait3A_21 : memref<512xf32, #tpu.memory_space<hbm>>) dst(%arg8 : memref<512xf32, #tpu.memory_space<vmem>>)
      tpu.yield
    }) : () -> ()
    %add3A_7 = arith.constant 49152 : i32
    %add3A_8 = arith.addi %add3A_7, %mul3A_2 : i32
    "tpu.region"() ({
      %run_scoped3A = tpu.sem_alloc : memref<!tpu.dma_semaphore, #tpu.memory_space<semaphore_mem>>
      %dma_start3A = tpu.memref_slice %arg2[%add3A_8] : memref<98304xf32, #tpu.memory_space<hbm>> -> memref<512xf32, #tpu.memory_space<hbm>>
      %dma_start3A_20 = tpu.memref_slice %arg2[%add3A_8] : memref<98304xf32, #tpu.memory_space<hbm>> -> memref<512xf32, #tpu.memory_space<hbm>>
      tpu.enqueue_dma source(%dma_start3A_20 : memref<512xf32, #tpu.memory_space<hbm>>) target(%arg9 : memref<512xf32, #tpu.memory_space<vmem>>) target_semaphore(%run_scoped3A : memref<!tpu.dma_semaphore, #tpu.memory_space<semaphore_mem>>)
      %dma_wait3A = tpu.memref_slice %arg2[%add3A_8] : memref<98304xf32, #tpu.memory_space<hbm>> -> memref<512xf32, #tpu.memory_space<hbm>>
      %dma_wait3A_21 = tpu.memref_slice %arg2[%add3A_8] : memref<98304xf32, #tpu.memory_space<hbm>> -> memref<512xf32, #tpu.memory_space<hbm>>
      tpu.wait_dma2 semaphore(%run_scoped3A : memref<!tpu.dma_semaphore, #tpu.memory_space<semaphore_mem>>) src(%dma_wait3A_21 : memref<512xf32, #tpu.memory_space<hbm>>) dst(%arg9 : memref<512xf32, #tpu.memory_space<vmem>>)
      tpu.yield
    }) : () -> ()
    %add3A_9 = arith.constant 65536 : i32
    %add3A_10 = arith.addi %add3A_9, %mul3A_2 : i32
    "tpu.region"() ({
      %run_scoped3A = tpu.sem_alloc : memref<!tpu.dma_semaphore, #tpu.memory_space<semaphore_mem>>
      %dma_start3A = tpu.memref_slice %arg2[%add3A_10] : memref<98304xf32, #tpu.memory_space<hbm>> -> memref<512xf32, #tpu.memory_space<hbm>>
      %dma_start3A_20 = tpu.memref_slice %arg2[%add3A_10] : memref<98304xf32, #tpu.memory_space<hbm>> -> memref<512xf32, #tpu.memory_space<hbm>>
      tpu.enqueue_dma source(%dma_start3A_20 : memref<512xf32, #tpu.memory_space<hbm>>) target(%arg10 : memref<512xf32, #tpu.memory_space<vmem>>) target_semaphore(%run_scoped3A : memref<!tpu.dma_semaphore, #tpu.memory_space<semaphore_mem>>)
      %dma_wait3A = tpu.memref_slice %arg2[%add3A_10] : memref<98304xf32, #tpu.memory_space<hbm>> -> memref<512xf32, #tpu.memory_space<hbm>>
      %dma_wait3A_21 = tpu.memref_slice %arg2[%add3A_10] : memref<98304xf32, #tpu.memory_space<hbm>> -> memref<512xf32, #tpu.memory_space<hbm>>
      tpu.wait_dma2 semaphore(%run_scoped3A : memref<!tpu.dma_semaphore, #tpu.memory_space<semaphore_mem>>) src(%dma_wait3A_21 : memref<512xf32, #tpu.memory_space<hbm>>) dst(%arg10 : memref<512xf32, #tpu.memory_space<vmem>>)
      tpu.yield
    }) : () -> ()
    %add3A_11 = arith.constant 81920 : i32
    %add3A_12 = arith.addi %add3A_11, %mul3A_2 : i32
    "tpu.region"() ({
      %run_scoped3A = tpu.sem_alloc : memref<!tpu.dma_semaphore, #tpu.memory_space<semaphore_mem>>
      %dma_start3A = tpu.memref_slice %arg2[%add3A_12] : memref<98304xf32, #tpu.memory_space<hbm>> -> memref<512xf32, #tpu.memory_space<hbm>>
      %dma_start3A_20 = tpu.memref_slice %arg2[%add3A_12] : memref<98304xf32, #tpu.memory_space<hbm>> -> memref<512xf32, #tpu.memory_space<hbm>>
      tpu.enqueue_dma source(%dma_start3A_20 : memref<512xf32, #tpu.memory_space<hbm>>) target(%arg11 : memref<512xf32, #tpu.memory_space<vmem>>) target_semaphore(%run_scoped3A : memref<!tpu.dma_semaphore, #tpu.memory_space<semaphore_mem>>)
      %dma_wait3A = tpu.memref_slice %arg2[%add3A_12] : memref<98304xf32, #tpu.memory_space<hbm>> -> memref<512xf32, #tpu.memory_space<hbm>>
      %dma_wait3A_21 = tpu.memref_slice %arg2[%add3A_12] : memref<98304xf32, #tpu.memory_space<hbm>> -> memref<512xf32, #tpu.memory_space<hbm>>
      tpu.wait_dma2 semaphore(%run_scoped3A : memref<!tpu.dma_semaphore, #tpu.memory_space<semaphore_mem>>) src(%dma_wait3A_21 : memref<512xf32, #tpu.memory_space<hbm>>) dst(%arg11 : memref<512xf32, #tpu.memory_space<vmem>>)
      tpu.yield
    }) : () -> ()
    "tpu.region"() ({
      %run_scoped3A = tpu.sem_alloc : memref<!tpu.dma_semaphore, #tpu.memory_space<semaphore_mem>>
      tpu.enqueue_dma source(%arg3 : memref<4x128x128xi32, #tpu.memory_space<hbm>>) target(%arg12 : memref<4x128x128xi32, #tpu.memory_space<vmem>>) target_semaphore(%run_scoped3A : memref<!tpu.dma_semaphore, #tpu.memory_space<semaphore_mem>>)
      tpu.wait_dma2 semaphore(%run_scoped3A : memref<!tpu.dma_semaphore, #tpu.memory_space<semaphore_mem>>) src(%arg3 : memref<4x128x128xi32, #tpu.memory_space<hbm>>) dst(%arg12 : memref<4x128x128xi32, #tpu.memory_space<vmem>>)
      tpu.yield
    }) : () -> ()
    "tpu.region"() ({
      %run_scoped3A = tpu.sem_alloc : memref<!tpu.dma_semaphore, #tpu.memory_space<semaphore_mem>>
      tpu.enqueue_dma source(%arg4 : memref<256xf32, #tpu.memory_space<hbm>>) target(%arg13 : memref<256xf32, #tpu.memory_space<vmem>>) target_semaphore(%run_scoped3A : memref<!tpu.dma_semaphore, #tpu.memory_space<semaphore_mem>>)
      tpu.wait_dma2 semaphore(%run_scoped3A : memref<!tpu.dma_semaphore, #tpu.memory_space<semaphore_mem>>) src(%arg4 : memref<256xf32, #tpu.memory_space<hbm>>) dst(%arg13 : memref<256xf32, #tpu.memory_space<vmem>>)
      tpu.yield
    }) : () -> ()
    %scan3A = arith.constant 0 : i32
    %scan3A_13 = arith.constant -1.501000e+00 : f32
    %scan3A_14 = arith.constant 1.501000e+00 : f32
    %scan3A_15 = arith.constant 0 : i32
    %scan3A_16 = arith.constant 32 : i32
    %scan3A_17 = arith.addi %scan3A_15, %scan3A_16 : i32
    %scan3A_18 = arith.constant 1 : i32
    scf.for %scan3A_20 = %scan3A_15 to %scan3A_17 step %scan3A_18  : i32 {
      %mul3A_21 = arith.constant 16 : i32
      %mul3A_22 = arith.muli %scan3A_20, %mul3A_21 : i32
      %get3A = arith.index_cast %mul3A_22 : i32 to index
      %get3A_23 = tpu.vector_load %arg6[%get3A] {strides = array<i32>} : memref<512xf32, #tpu.memory_space<vmem>>, vector<16xf32>,
      %get3A_24 = arith.index_cast %mul3A_22 : i32 to index
      %get3A_25 = tpu.vector_load %arg7[%get3A_24] {strides = array<i32>} : memref<512xf32, #tpu.memory_space<vmem>>, vector<16xf32>,
      %get3A_26 = arith.index_cast %mul3A_22 : i32 to index
      %get3A_27 = tpu.vector_load %arg8[%get3A_26] {strides = array<i32>} : memref<512xf32, #tpu.memory_space<vmem>>, vector<16xf32>,
      %get3A_28 = arith.index_cast %mul3A_22 : i32 to index
      %get3A_29 = tpu.vector_load %arg9[%get3A_28] {strides = array<i32>} : memref<512xf32, #tpu.memory_space<vmem>>, vector<16xf32>,
      %get3A_30 = arith.index_cast %mul3A_22 : i32 to index
      %get3A_31 = tpu.vector_load %arg10[%get3A_30] {strides = array<i32>} : memref<512xf32, #tpu.memory_space<vmem>>, vector<16xf32>,
      %get3A_32 = arith.index_cast %mul3A_22 : i32 to index
      %get3A_33 = tpu.vector_load %arg11[%get3A_32] {strides = array<i32>} : memref<512xf32, #tpu.memory_space<vmem>>, vector<16xf32>,
      %add3A_34 = arith.constant 1.500000e+00 : f32
      %add3A_35 = vector.broadcast %add3A_34 : f32 to vector<16xf32>
      %add3A_36 = arith.addf %get3A_23, %add3A_35 : vector<16xf32>
      %mul3A_37 = arith.constant 42.6666679 : f32
      %mul3A_38 = vector.broadcast %mul3A_37 : f32 to vector<16xf32>
      %mul3A_39 = arith.mulf %add3A_36, %mul3A_38 : vector<16xf32>
      %add3A_40 = arith.constant 1.500000e+00 : f32
      %add3A_41 = vector.broadcast %add3A_40 : f32 to vector<16xf32>
      %add3A_42 = arith.addf %get3A_25, %add3A_41 : vector<16xf32>
      %mul3A_43 = arith.constant 42.6666679 : f32
      %mul3A_44 = vector.broadcast %mul3A_43 : f32 to vector<16xf32>
      %mul3A_45 = arith.mulf %add3A_42, %mul3A_44 : vector<16xf32>
      %add3A_46 = arith.constant 1.500000e+00 : f32
      %add3A_47 = vector.broadcast %add3A_46 : f32 to vector<16xf32>
      %add3A_48 = arith.addf %get3A_27, %add3A_47 : vector<16xf32>
      %mul3A_49 = arith.constant 42.6666679 : f32
      %mul3A_50 = vector.broadcast %mul3A_49 : f32 to vector<16xf32>
      %mul3A_51 = arith.mulf %add3A_48, %mul3A_50 : vector<16xf32>
      %mul3A_52 = arith.constant 42.6666679 : f32
      %mul3A_53 = vector.broadcast %mul3A_52 : f32 to vector<16xf32>
      %mul3A_54 = arith.mulf %get3A_29, %mul3A_53 : vector<16xf32>
      %mul3A_55 = arith.constant 42.6666679 : f32
      %mul3A_56 = vector.broadcast %mul3A_55 : f32 to vector<16xf32>
      %mul3A_57 = arith.mulf %get3A_31, %mul3A_56 : vector<16xf32>
      %mul3A_58 = arith.constant 42.6666679 : f32
      %mul3A_59 = vector.broadcast %mul3A_58 : f32 to vector<16xf32>
      %mul3A_60 = arith.mulf %get3A_33, %mul3A_59 : vector<16xf32>
      %abs3A = math.absf %get3A_29 : vector<16xf32>
      %max3A = arith.constant 9.99999996E-13 : f32
      %max3A_61 = vector.broadcast %max3A : f32 to vector<16xf32>
      %max3A_62 = arith.maximumf %abs3A, %max3A_61 : vector<16xf32>
      %lt3A = arith.constant 0.000000e+00 : f32
      %lt3A_63 = vector.broadcast %lt3A : f32 to vector<16xf32>
      %lt3A_64 = arith.cmpf olt, %get3A_29, %lt3A_63 : vector<16xf32>
      %neg3A = arith.constant 0.000000e+00 : f32
      %neg3A_65 = vector.broadcast %neg3A : f32 to vector<16xf32>
      %neg3A_66 = arith.subf %neg3A_65, %max3A_62 : vector<16xf32>
      %select_n3A = arith.select %lt3A_64, %neg3A_66, %max3A_62 : vector<16xi1>, vector<16xf32>
      %div3A = arith.constant 1.000000e+00 : f32
      %div3A_67 = vector.broadcast %div3A : f32 to vector<16xf32>
      %div3A_68 = arith.divf %div3A_67, %select_n3A : vector<16xf32>
      %abs3A_69 = math.absf %get3A_31 : vector<16xf32>
      %max3A_70 = arith.constant 9.99999996E-13 : f32
      %max3A_71 = vector.broadcast %max3A_70 : f32 to vector<16xf32>
      %max3A_72 = arith.maximumf %abs3A_69, %max3A_71 : vector<16xf32>
      %lt3A_73 = arith.constant 0.000000e+00 : f32
      %lt3A_74 = vector.broadcast %lt3A_73 : f32 to vector<16xf32>
      %lt3A_75 = arith.cmpf olt, %get3A_31, %lt3A_74 : vector<16xf32>
      %neg3A_76 = arith.constant 0.000000e+00 : f32
      %neg3A_77 = vector.broadcast %neg3A_76 : f32 to vector<16xf32>
      %neg3A_78 = arith.subf %neg3A_77, %max3A_72 : vector<16xf32>
      %select_n3A_79 = arith.select %lt3A_75, %neg3A_78, %max3A_72 : vector<16xi1>, vector<16xf32>
      %div3A_80 = arith.constant 1.000000e+00 : f32
      %div3A_81 = vector.broadcast %div3A_80 : f32 to vector<16xf32>
      %div3A_82 = arith.divf %div3A_81, %select_n3A_79 : vector<16xf32>
      %abs3A_83 = math.absf %get3A_33 : vector<16xf32>
      %max3A_84 = arith.constant 9.99999996E-13 : f32
      %max3A_85 = vector.broadcast %max3A_84 : f32 to vector<16xf32>
      %max3A_86 = arith.maximumf %abs3A_83, %max3A_85 : vector<16xf32>
      %lt3A_87 = arith.constant 0.000000e+00 : f32
      %lt3A_88 = vector.broadcast %lt3A_87 : f32 to vector<16xf32>
      %lt3A_89 = arith.cmpf olt, %get3A_33, %lt3A_88 : vector<16xf32>
      %neg3A_90 = arith.constant 0.000000e+00 : f32
      %neg3A_91 = vector.broadcast %neg3A_90 : f32 to vector<16xf32>
      %neg3A_92 = arith.subf %neg3A_91, %max3A_86 : vector<16xf32>
      %select_n3A_93 = arith.select %lt3A_89, %neg3A_92, %max3A_86 : vector<16xi1>, vector<16xf32>
      %div3A_94 = arith.constant 1.000000e+00 : f32
      %div3A_95 = vector.broadcast %div3A_94 : f32 to vector<16xf32>
      %div3A_96 = arith.divf %div3A_95, %select_n3A_93 : vector<16xf32>
      %sub3A = vector.broadcast %scan3A_13 : f32 to vector<16xf32>
      %sub3A_97 = arith.subf %sub3A, %get3A_23 : vector<16xf32>
      %mul3A_98 = arith.mulf %sub3A_97, %div3A_68 : vector<16xf32>
      %sub3A_99 = vector.broadcast %scan3A_14 : f32 to vector<16xf32>
      %sub3A_100 = arith.subf %sub3A_99, %get3A_23 : vector<16xf32>
      %mul3A_101 = arith.mulf %sub3A_100, %div3A_68 : vector<16xf32>
      %sub3A_102 = vector.broadcast %scan3A_13 : f32 to vector<16xf32>
      %sub3A_103 = arith.subf %sub3A_102, %get3A_25 : vector<16xf32>
      %mul3A_104 = arith.mulf %sub3A_103, %div3A_82 : vector<16xf32>
      %sub3A_105 = vector.broadcast %scan3A_14 : f32 to vector<16xf32>
      %sub3A_106 = arith.subf %sub3A_105, %get3A_25 : vector<16xf32>
      %mul3A_107 = arith.mulf %sub3A_106, %div3A_82 : vector<16xf32>
      %sub3A_108 = vector.broadcast %scan3A_13 : f32 to vector<16xf32>
      %sub3A_109 = arith.subf %sub3A_108, %get3A_27 : vector<16xf32>
      %mul3A_110 = arith.mulf %sub3A_109, %div3A_96 : vector<16xf32>
      %sub3A_111 = vector.broadcast %scan3A_14 : f32 to vector<16xf32>
      %sub3A_112 = arith.subf %sub3A_111, %get3A_27 : vector<16xf32>
      %mul3A_113 = arith.mulf %sub3A_112, %div3A_96 : vector<16xf32>
      %min3A = arith.minimumf %mul3A_98, %mul3A_101 : vector<16xf32>
      %min3A_114 = arith.minimumf %mul3A_104, %mul3A_107 : vector<16xf32>
      %max3A_115 = arith.maximumf %min3A, %min3A_114 : vector<16xf32>
      %min3A_116 = arith.minimumf %mul3A_110, %mul3A_113 : vector<16xf32>
      %max3A_117 = arith.maximumf %max3A_115, %min3A_116 : vector<16xf32>
      %max3A_118 = arith.maximumf %mul3A_98, %mul3A_101 : vector<16xf32>
      %max3A_119 = arith.maximumf %mul3A_104, %mul3A_107 : vector<16xf32>
      %min3A_120 = arith.minimumf %max3A_118, %max3A_119 : vector<16xf32>
      %max3A_121 = arith.maximumf %mul3A_110, %mul3A_113 : vector<16xf32>
      %min3A_122 = arith.constant 6.000000e+00 : f32
      %min3A_123 = vector.broadcast %min3A_122 : f32 to vector<16xf32>
      %min3A_124 = arith.minimumf %max3A_121, %min3A_123 : vector<16xf32>
      %min3A_125 = arith.minimumf %min3A_120, %min3A_124 : vector<16xf32>
      %le3A = arith.cmpf ole, %max3A_117, %min3A_125 : vector<16xf32>
      %ge3A = arith.constant 2.000000e+00 : f32
      %ge3A_126 = vector.broadcast %ge3A : f32 to vector<16xf32>
      %ge3A_127 = arith.cmpf oge, %min3A_125, %ge3A_126 : vector<16xf32>
      %and3A = arith.andi %le3A, %ge3A_127 : vector<16xi1>
      %sub3A_128 = arith.constant 2.000000e+00 : f32
      %sub3A_129 = vector.broadcast %sub3A_128 : f32 to vector<16xf32>
      %sub3A_130 = arith.subf %min3A_125, %sub3A_129 : vector<16xf32>
      %mul3A_131 = arith.constant 49.2672234 : f32
      %mul3A_132 = vector.broadcast %mul3A_131 : f32 to vector<16xf32>
      %mul3A_133 = arith.mulf %sub3A_130, %mul3A_132 : vector<16xf32>
      %convert_element_type3A = arith.fptosi %mul3A_133 : vector<16xf32> to vector<16xi32>
      %add3A_134 = arith.constant 2 : i32
      %add3A_135 = vector.broadcast %add3A_134 : i32 to vector<16xi32>
      %add3A_136 = arith.addi %convert_element_type3A, %add3A_135 : vector<16xi32>
      %min3A_137 = arith.constant 198 : i32
      %min3A_138 = vector.broadcast %min3A_137 : i32 to vector<16xi32>
      %min3A_139 = arith.minsi %add3A_136, %min3A_138 : vector<16xi32>
      %jit3A = arith.constant 0 : i32
      %broadcast_in_dim3A = vector.broadcast %jit3A : i32 to vector<16xi32>
      %select_n3A_140 = arith.select %and3A, %min3A_139, %broadcast_in_dim3A : vector<16xi1>, vector<16xi32>
      %sub3A_141 = arith.constant 2.000000e+00 : f32
      %sub3A_142 = vector.broadcast %sub3A_141 : f32 to vector<16xf32>
      %sub3A_143 = arith.subf %max3A_117, %sub3A_142 : vector<16xf32>
      %mul3A_144 = arith.constant 49.2672234 : f32
      %mul3A_145 = vector.broadcast %mul3A_144 : f32 to vector<16xf32>
      %mul3A_146 = arith.mulf %sub3A_143, %mul3A_145 : vector<16xf32>
      %convert_element_type3A_147 = arith.fptosi %mul3A_146 : vector<16xf32> to vector<16xi32>
      %sub3A_148 = arith.constant 1 : i32
      %sub3A_149 = vector.broadcast %sub3A_148 : i32 to vector<16xi32>
      %sub3A_150 = arith.subi %convert_element_type3A_147, %sub3A_149 : vector<16xi32>
      %max3A_151 = arith.constant 1 : i32
      %max3A_152 = vector.broadcast %max3A_151 : i32 to vector<16xi32>
      %max3A_153 = arith.maxsi %sub3A_150, %max3A_152 : vector<16xi32>
      %min3A_154 = arith.constant 198 : i32
      %min3A_155 = vector.broadcast %min3A_154 : i32 to vector<16xi32>
      %min3A_156 = arith.minsi %max3A_153, %min3A_155 : vector<16xi32>
      %sub3A_157 = arith.constant 1 : i32
      %sub3A_158 = vector.broadcast %sub3A_157 : i32 to vector<16xi32>
      %sub3A_159 = arith.subi %min3A_156, %sub3A_158 : vector<16xi32>
      %gather3A = tpu.vector_load_idx %arg13[%sub3A_159] : memref<256xf32, #tpu.memory_space<vmem>>[vector<16xi32>], vector<16xf32>,
      %gather3A_160 = tpu.vector_load_idx %arg13[%select_n3A_140] : memref<256xf32, #tpu.memory_space<vmem>>[vector<16xi32>], vector<16xf32>,
      %broadcast_in_dim3A_161 = arith.constant 2.000000e+00 : f32
      %broadcast_in_dim3A_162 = vector.broadcast %broadcast_in_dim3A_161 : f32 to vector<16xf32>
      %while3A = arith.constant 6.03920794 : f32
      %while3A_163:3 = scf.while (%while3A_165 = %gather3A, %while3A_166 = %and3A, %while3A_167 = %broadcast_in_dim3A_162) : (vector<16xf32>, vector<16xi1>, vector<16xf32>) -> (vector<16xf32>, vector<16xi1>, vector<16xf32>) {
        %lt3A_168 = arith.cmpf olt, %while3A_165, %gather3A_160 : vector<16xf32>
        %and3A_169 = arith.andi %while3A_166, %lt3A_168 : vector<16xi1>
        %reduce_or3A = arith.constant 1.000000e+00 : f32
        %reduce_or3A_170 = arith.constant 0.000000e+00 : f32
        %reduce_or3A_171 = vector.broadcast %reduce_or3A : f32 to vector<16xf32>
        %reduce_or3A_172 = vector.broadcast %reduce_or3A_170 : f32 to vector<16xf32>
        %reduce_or3A_173 = arith.select %and3A_169, %reduce_or3A_171, %reduce_or3A_172 : vector<16xi1>, vector<16xf32>
        %reduce_or3A_174 = arith.constant true
        %reduce_or3A_175 = vector.broadcast %reduce_or3A_174 : i1 to vector<16xi1>
        %reduce_or3A_176 = tpu.scan <max>, %reduce_or3A_173 masked %reduce_or3A_175 : vector<16xf32>, vector<16xi1> -> vector<16xf32>
        %reduce_or3A_177 = vector.extract %reduce_or3A_176[15] : f32 from vector<16xf32>
        %reduce_or3A_178 = arith.constant 0.000000e+00 : f32
        %reduce_or3A_179 = arith.cmpf ogt, %reduce_or3A_177, %reduce_or3A_178 : f32
        scf.condition(%reduce_or3A_179) %while3A_165, %while3A_166, %while3A_167 : vector<16xf32>, vector<16xi1>, vector<16xf32>
      } do {
      ^bb0(%while3A_165: vector<16xf32>, %while3A_166: vector<16xi1>, %while3A_167: vector<16xf32>):
        %add3A_168 = arith.constant 0.0202974696 : f32
        %add3A_169 = vector.broadcast %add3A_168 : f32 to vector<16xf32>
        %add3A_170 = arith.addf %while3A_165, %add3A_169 : vector<16xf32>
        %add3A_171 = arith.constant 0.0202974696 : f32
        %add3A_172 = vector.broadcast %add3A_171 : f32 to vector<16xf32>
        %add3A_173 = arith.addf %add3A_170, %add3A_172 : vector<16xf32>
        %add3A_174 = arith.constant 0.0202974696 : f32
        %add3A_175 = vector.broadcast %add3A_174 : f32 to vector<16xf32>
        %add3A_176 = arith.addf %add3A_173, %add3A_175 : vector<16xf32>
        %add3A_177 = arith.constant 0.0202974696 : f32
        %add3A_178 = vector.broadcast %add3A_177 : f32 to vector<16xf32>
        %add3A_179 = arith.addf %add3A_176, %add3A_178 : vector<16xf32>
        %mul3A_180 = arith.mulf %mul3A_54, %add3A_170 : vector<16xf32>
        %add3A_181 = arith.addf %mul3A_39, %mul3A_180 : vector<16xf32>
        %mul3A_182 = arith.mulf %mul3A_57, %add3A_170 : vector<16xf32>
        %add3A_183 = arith.addf %mul3A_45, %mul3A_182 : vector<16xf32>
        %mul3A_184 = arith.mulf %mul3A_60, %add3A_170 : vector<16xf32>
        %add3A_185 = arith.addf %mul3A_51, %mul3A_184 : vector<16xf32>
        %min3A_186 = arith.minimumf %add3A_181, %add3A_183 : vector<16xf32>
        %min3A_187 = arith.minimumf %min3A_186, %add3A_185 : vector<16xf32>
        %max3A_188 = arith.maximumf %add3A_181, %add3A_183 : vector<16xf32>
        %max3A_189 = arith.maximumf %max3A_188, %add3A_185 : vector<16xf32>
        %ge3A_190 = arith.constant 0.000000e+00 : f32
        %ge3A_191 = vector.broadcast %ge3A_190 : f32 to vector<16xf32>
        %ge3A_192 = arith.cmpf oge, %min3A_187, %ge3A_191 : vector<16xf32>
        %lt3A_193 = arith.constant 1.280000e+02 : f32
        %lt3A_194 = vector.broadcast %lt3A_193 : f32 to vector<16xf32>
        %lt3A_195 = arith.cmpf olt, %max3A_189, %lt3A_194 : vector<16xf32>
        %and3A_196 = arith.andi %ge3A_192, %lt3A_195 : vector<16xi1>
        %convert_element_type3A_197 = arith.fptosi %add3A_181 : vector<16xf32> to vector<16xi32>
        %convert_element_type3A_198 = arith.fptosi %add3A_183 : vector<16xf32> to vector<16xi32>
        %jit3A_199 = arith.constant 0 : i32
        %broadcast_in_dim3A_200 = vector.broadcast %jit3A_199 : i32 to vector<16xi32>
        %select_n3A_201 = arith.select %and3A_196, %convert_element_type3A_198, %broadcast_in_dim3A_200 : vector<16xi1>, vector<16xi32>
        %convert_element_type3A_202 = arith.fptosi %add3A_185 : vector<16xf32> to vector<16xi32>
        %jit3A_203 = arith.constant 0 : i32
        %broadcast_in_dim3A_204 = vector.broadcast %jit3A_203 : i32 to vector<16xi32>
        %select_n3A_205 = arith.select %and3A_196, %convert_element_type3A_202, %broadcast_in_dim3A_204 : vector<16xi1>, vector<16xi32>
        %and3A_206 = arith.constant 3 : i32
        %and3A_207 = vector.broadcast %and3A_206 : i32 to vector<16xi32>
        %and3A_208 = arith.andi %convert_element_type3A_197, %and3A_207 : vector<16xi32>
        %and3A_209 = arith.constant 127 : i32
        %and3A_210 = vector.broadcast %and3A_209 : i32 to vector<16xi32>
        %and3A_211 = arith.andi %convert_element_type3A_197, %and3A_210 : vector<16xi32>
        %shift_right_logical3A = arith.constant 2 : i32
        %shift_right_logical3A_212 = vector.broadcast %shift_right_logical3A : i32 to vector<16xi32>
        %shift_right_logical3A_213 = arith.shrui %and3A_211, %shift_right_logical3A_212 : vector<16xi32>
        %gather3A_214 = tpu.vector_load_idx %arg12[%and3A_208, %select_n3A_201, %select_n3A_205] : memref<4x128x128xi32, #tpu.memory_space<vmem>>[vector<16xi32>, vector<16xi32>, vector<16xi32>], vector<16xi32>,
        %shift_right_logical3A_215 = arith.shrui %gather3A_214, %shift_right_logical3A_213 : vector<16xi32>
        %and3A_216 = arith.constant 1 : i32
        %and3A_217 = vector.broadcast %and3A_216 : i32 to vector<16xi32>
        %and3A_218 = arith.andi %shift_right_logical3A_215, %and3A_217 : vector<16xi32>
        %ne3A = arith.constant 0 : i32
        %ne3A_219 = vector.broadcast %ne3A : i32 to vector<16xi32>
        %ne3A_220 = arith.cmpi ne, %and3A_218, %ne3A_219 : vector<16xi32>
        %and3A_221 = arith.andi %and3A_196, %ne3A_220 : vector<16xi1>
        %mul3A_222 = arith.mulf %mul3A_54, %add3A_173 : vector<16xf32>
        %add3A_223 = arith.addf %mul3A_39, %mul3A_222 : vector<16xf32>
        %mul3A_224 = arith.mulf %mul3A_57, %add3A_173 : vector<16xf32>
        %add3A_225 = arith.addf %mul3A_45, %mul3A_224 : vector<16xf32>
        %mul3A_226 = arith.mulf %mul3A_60, %add3A_173 : vector<16xf32>
        %add3A_227 = arith.addf %mul3A_51, %mul3A_226 : vector<16xf32>
        %min3A_228 = arith.minimumf %add3A_223, %add3A_225 : vector<16xf32>
        %min3A_229 = arith.minimumf %min3A_228, %add3A_227 : vector<16xf32>
        %max3A_230 = arith.maximumf %add3A_223, %add3A_225 : vector<16xf32>
        %max3A_231 = arith.maximumf %max3A_230, %add3A_227 : vector<16xf32>
        %ge3A_232 = arith.constant 0.000000e+00 : f32
        %ge3A_233 = vector.broadcast %ge3A_232 : f32 to vector<16xf32>
        %ge3A_234 = arith.cmpf oge, %min3A_229, %ge3A_233 : vector<16xf32>
        %lt3A_235 = arith.constant 1.280000e+02 : f32
        %lt3A_236 = vector.broadcast %lt3A_235 : f32 to vector<16xf32>
        %lt3A_237 = arith.cmpf olt, %max3A_231, %lt3A_236 : vector<16xf32>
        %and3A_238 = arith.andi %ge3A_234, %lt3A_237 : vector<16xi1>
        %convert_element_type3A_239 = arith.fptosi %add3A_223 : vector<16xf32> to vector<16xi32>
        %convert_element_type3A_240 = arith.fptosi %add3A_225 : vector<16xf32> to vector<16xi32>
        %jit3A_241 = arith.constant 0 : i32
        %broadcast_in_dim3A_242 = vector.broadcast %jit3A_241 : i32 to vector<16xi32>
        %select_n3A_243 = arith.select %and3A_238, %convert_element_type3A_240, %broadcast_in_dim3A_242 : vector<16xi1>, vector<16xi32>
        %convert_element_type3A_244 = arith.fptosi %add3A_227 : vector<16xf32> to vector<16xi32>
        %jit3A_245 = arith.constant 0 : i32
        %broadcast_in_dim3A_246 = vector.broadcast %jit3A_245 : i32 to vector<16xi32>
        %select_n3A_247 = arith.select %and3A_238, %convert_element_type3A_244, %broadcast_in_dim3A_246 : vector<16xi1>, vector<16xi32>
        %and3A_248 = arith.constant 3 : i32
        %and3A_249 = vector.broadcast %and3A_248 : i32 to vector<16xi32>
        %and3A_250 = arith.andi %convert_element_type3A_239, %and3A_249 : vector<16xi32>
        %and3A_251 = arith.constant 127 : i32
        %and3A_252 = vector.broadcast %and3A_251 : i32 to vector<16xi32>
        %and3A_253 = arith.andi %convert_element_type3A_239, %and3A_252 : vector<16xi32>
        %shift_right_logical3A_254 = arith.constant 2 : i32
        %shift_right_logical3A_255 = vector.broadcast %shift_right_logical3A_254 : i32 to vector<16xi32>
        %shift_right_logical3A_256 = arith.shrui %and3A_253, %shift_right_logical3A_255 : vector<16xi32>
        %gather3A_257 = tpu.vector_load_idx %arg12[%and3A_250, %select_n3A_243, %select_n3A_247] : memref<4x128x128xi32, #tpu.memory_space<vmem>>[vector<16xi32>, vector<16xi32>, vector<16xi32>], vector<16xi32>,
        %shift_right_logical3A_258 = arith.shrui %gather3A_257, %shift_right_logical3A_256 : vector<16xi32>
        %and3A_259 = arith.constant 1 : i32
        %and3A_260 = vector.broadcast %and3A_259 : i32 to vector<16xi32>
        %and3A_261 = arith.andi %shift_right_logical3A_258, %and3A_260 : vector<16xi32>
        %ne3A_262 = arith.constant 0 : i32
        %ne3A_263 = vector.broadcast %ne3A_262 : i32 to vector<16xi32>
        %ne3A_264 = arith.cmpi ne, %and3A_261, %ne3A_263 : vector<16xi32>
        %and3A_265 = arith.andi %and3A_238, %ne3A_264 : vector<16xi1>
        %mul3A_266 = arith.mulf %mul3A_54, %add3A_176 : vector<16xf32>
        %add3A_267 = arith.addf %mul3A_39, %mul3A_266 : vector<16xf32>
        %mul3A_268 = arith.mulf %mul3A_57, %add3A_176 : vector<16xf32>
        %add3A_269 = arith.addf %mul3A_45, %mul3A_268 : vector<16xf32>
        %mul3A_270 = arith.mulf %mul3A_60, %add3A_176 : vector<16xf32>
        %add3A_271 = arith.addf %mul3A_51, %mul3A_270 : vector<16xf32>
        %min3A_272 = arith.minimumf %add3A_267, %add3A_269 : vector<16xf32>
        %min3A_273 = arith.minimumf %min3A_272, %add3A_271 : vector<16xf32>
        %max3A_274 = arith.maximumf %add3A_267, %add3A_269 : vector<16xf32>
        %max3A_275 = arith.maximumf %max3A_274, %add3A_271 : vector<16xf32>
        %ge3A_276 = arith.constant 0.000000e+00 : f32
        %ge3A_277 = vector.broadcast %ge3A_276 : f32 to vector<16xf32>
        %ge3A_278 = arith.cmpf oge, %min3A_273, %ge3A_277 : vector<16xf32>
        %lt3A_279 = arith.constant 1.280000e+02 : f32
        %lt3A_280 = vector.broadcast %lt3A_279 : f32 to vector<16xf32>
        %lt3A_281 = arith.cmpf olt, %max3A_275, %lt3A_280 : vector<16xf32>
        %and3A_282 = arith.andi %ge3A_278, %lt3A_281 : vector<16xi1>
        %convert_element_type3A_283 = arith.fptosi %add3A_267 : vector<16xf32> to vector<16xi32>
        %convert_element_type3A_284 = arith.fptosi %add3A_269 : vector<16xf32> to vector<16xi32>
        %jit3A_285 = arith.constant 0 : i32
        %broadcast_in_dim3A_286 = vector.broadcast %jit3A_285 : i32 to vector<16xi32>
        %select_n3A_287 = arith.select %and3A_282, %convert_element_type3A_284, %broadcast_in_dim3A_286 : vector<16xi1>, vector<16xi32>
        %convert_element_type3A_288 = arith.fptosi %add3A_271 : vector<16xf32> to vector<16xi32>
        %jit3A_289 = arith.constant 0 : i32
        %broadcast_in_dim3A_290 = vector.broadcast %jit3A_289 : i32 to vector<16xi32>
        %select_n3A_291 = arith.select %and3A_282, %convert_element_type3A_288, %broadcast_in_dim3A_290 : vector<16xi1>, vector<16xi32>
        %and3A_292 = arith.constant 3 : i32
        %and3A_293 = vector.broadcast %and3A_292 : i32 to vector<16xi32>
        %and3A_294 = arith.andi %convert_element_type3A_283, %and3A_293 : vector<16xi32>
        %and3A_295 = arith.constant 127 : i32
        %and3A_296 = vector.broadcast %and3A_295 : i32 to vector<16xi32>
        %and3A_297 = arith.andi %convert_element_type3A_283, %and3A_296 : vector<16xi32>
        %shift_right_logical3A_298 = arith.constant 2 : i32
        %shift_right_logical3A_299 = vector.broadcast %shift_right_logical3A_298 : i32 to vector<16xi32>
        %shift_right_logical3A_300 = arith.shrui %and3A_297, %shift_right_logical3A_299 : vector<16xi32>
        %gather3A_301 = tpu.vector_load_idx %arg12[%and3A_294, %select_n3A_287, %select_n3A_291] : memref<4x128x128xi32, #tpu.memory_space<vmem>>[vector<16xi32>, vector<16xi32>, vector<16xi32>], vector<16xi32>,
        %shift_right_logical3A_302 = arith.shrui %gather3A_301, %shift_right_logical3A_300 : vector<16xi32>
        %and3A_303 = arith.constant 1 : i32
        %and3A_304 = vector.broadcast %and3A_303 : i32 to vector<16xi32>
        %and3A_305 = arith.andi %shift_right_logical3A_302, %and3A_304 : vector<16xi32>
        %ne3A_306 = arith.constant 0 : i32
        %ne3A_307 = vector.broadcast %ne3A_306 : i32 to vector<16xi32>
        %ne3A_308 = arith.cmpi ne, %and3A_305, %ne3A_307 : vector<16xi32>
        %and3A_309 = arith.andi %and3A_282, %ne3A_308 : vector<16xi1>
        %mul3A_310 = arith.mulf %mul3A_54, %add3A_179 : vector<16xf32>
        %add3A_311 = arith.addf %mul3A_39, %mul3A_310 : vector<16xf32>
        %mul3A_312 = arith.mulf %mul3A_57, %add3A_179 : vector<16xf32>
        %add3A_313 = arith.addf %mul3A_45, %mul3A_312 : vector<16xf32>
        %mul3A_314 = arith.mulf %mul3A_60, %add3A_179 : vector<16xf32>
        %add3A_315 = arith.addf %mul3A_51, %mul3A_314 : vector<16xf32>
        %min3A_316 = arith.minimumf %add3A_311, %add3A_313 : vector<16xf32>
        %min3A_317 = arith.minimumf %min3A_316, %add3A_315 : vector<16xf32>
        %max3A_318 = arith.maximumf %add3A_311, %add3A_313 : vector<16xf32>
        %max3A_319 = arith.maximumf %max3A_318, %add3A_315 : vector<16xf32>
        %ge3A_320 = arith.constant 0.000000e+00 : f32
        %ge3A_321 = vector.broadcast %ge3A_320 : f32 to vector<16xf32>
        %ge3A_322 = arith.cmpf oge, %min3A_317, %ge3A_321 : vector<16xf32>
        %lt3A_323 = arith.constant 1.280000e+02 : f32
        %lt3A_324 = vector.broadcast %lt3A_323 : f32 to vector<16xf32>
        %lt3A_325 = arith.cmpf olt, %max3A_319, %lt3A_324 : vector<16xf32>
        %and3A_326 = arith.andi %ge3A_322, %lt3A_325 : vector<16xi1>
        %convert_element_type3A_327 = arith.fptosi %add3A_311 : vector<16xf32> to vector<16xi32>
        %convert_element_type3A_328 = arith.fptosi %add3A_313 : vector<16xf32> to vector<16xi32>
        %jit3A_329 = arith.constant 0 : i32
        %broadcast_in_dim3A_330 = vector.broadcast %jit3A_329 : i32 to vector<16xi32>
        %select_n3A_331 = arith.select %and3A_326, %convert_element_type3A_328, %broadcast_in_dim3A_330 : vector<16xi1>, vector<16xi32>
        %convert_element_type3A_332 = arith.fptosi %add3A_315 : vector<16xf32> to vector<16xi32>
        %jit3A_333 = arith.constant 0 : i32
        %broadcast_in_dim3A_334 = vector.broadcast %jit3A_333 : i32 to vector<16xi32>
        %select_n3A_335 = arith.select %and3A_326, %convert_element_type3A_332, %broadcast_in_dim3A_334 : vector<16xi1>, vector<16xi32>
        %and3A_336 = arith.constant 3 : i32
        %and3A_337 = vector.broadcast %and3A_336 : i32 to vector<16xi32>
        %and3A_338 = arith.andi %convert_element_type3A_327, %and3A_337 : vector<16xi32>
        %and3A_339 = arith.constant 127 : i32
        %and3A_340 = vector.broadcast %and3A_339 : i32 to vector<16xi32>
        %and3A_341 = arith.andi %convert_element_type3A_327, %and3A_340 : vector<16xi32>
        %shift_right_logical3A_342 = arith.constant 2 : i32
        %shift_right_logical3A_343 = vector.broadcast %shift_right_logical3A_342 : i32 to vector<16xi32>
        %shift_right_logical3A_344 = arith.shrui %and3A_341, %shift_right_logical3A_343 : vector<16xi32>
        %gather3A_345 = tpu.vector_load_idx %arg12[%and3A_338, %select_n3A_331, %select_n3A_335] : memref<4x128x128xi32, #tpu.memory_space<vmem>>[vector<16xi32>, vector<16xi32>, vector<16xi32>], vector<16xi32>,
        %shift_right_logical3A_346 = arith.shrui %gather3A_345, %shift_right_logical3A_344 : vector<16xi32>
        %and3A_347 = arith.constant 1 : i32
        %and3A_348 = vector.broadcast %and3A_347 : i32 to vector<16xi32>
        %and3A_349 = arith.andi %shift_right_logical3A_346, %and3A_348 : vector<16xi32>
        %ne3A_350 = arith.constant 0 : i32
        %ne3A_351 = vector.broadcast %ne3A_350 : i32 to vector<16xi32>
        %ne3A_352 = arith.cmpi ne, %and3A_349, %ne3A_351 : vector<16xi32>
        %and3A_353 = arith.andi %and3A_326, %ne3A_352 : vector<16xi1>
        %and3A_354 = arith.andi %while3A_166, %and3A_221 : vector<16xi1>
        %lt3A_355 = vector.broadcast %while3A : f32 to vector<16xf32>
        %lt3A_356 = arith.cmpf olt, %add3A_170, %lt3A_355 : vector<16xf32>
        %and3A_357 = arith.andi %and3A_354, %lt3A_356 : vector<16xi1>
        %not3A = arith.constant dense<true> : vector<16xi1>
        %not3A_358 = arith.xori %and3A_357, %not3A : vector<16xi1>
        %and3A_359 = arith.andi %while3A_166, %not3A_358 : vector<16xi1>
        %and3A_360 = arith.andi %and3A_359, %and3A_265 : vector<16xi1>
        %lt3A_361 = vector.broadcast %while3A : f32 to vector<16xf32>
        %lt3A_362 = arith.cmpf olt, %add3A_173, %lt3A_361 : vector<16xf32>
        %and3A_363 = arith.andi %and3A_360, %lt3A_362 : vector<16xi1>
        %not3A_364 = arith.constant dense<true> : vector<16xi1>
        %not3A_365 = arith.xori %and3A_363, %not3A_364 : vector<16xi1>
        %and3A_366 = arith.andi %and3A_359, %not3A_365 : vector<16xi1>
        %and3A_367 = arith.andi %and3A_366, %and3A_309 : vector<16xi1>
        %lt3A_368 = vector.broadcast %while3A : f32 to vector<16xf32>
        %lt3A_369 = arith.cmpf olt, %add3A_176, %lt3A_368 : vector<16xf32>
        %and3A_370 = arith.andi %and3A_367, %lt3A_369 : vector<16xi1>
        %not3A_371 = arith.constant dense<true> : vector<16xi1>
        %not3A_372 = arith.xori %and3A_370, %not3A_371 : vector<16xi1>
        %and3A_373 = arith.andi %and3A_366, %not3A_372 : vector<16xi1>
        %and3A_374 = arith.andi %and3A_373, %and3A_353 : vector<16xi1>
        %lt3A_375 = vector.broadcast %while3A : f32 to vector<16xf32>
        %lt3A_376 = arith.cmpf olt, %add3A_179, %lt3A_375 : vector<16xf32>
        %and3A_377 = arith.andi %and3A_374, %lt3A_376 : vector<16xi1>
        %sub3A_378 = arith.constant 0.0202974696 : f32
        %sub3A_379 = vector.broadcast %sub3A_378 : f32 to vector<16xf32>
        %sub3A_380 = arith.subf %add3A_170, %sub3A_379 : vector<16xf32>
        %max3A_381 = arith.constant 2.000000e+00 : f32
        %max3A_382 = vector.broadcast %max3A_381 : f32 to vector<16xf32>
        %max3A_383 = arith.maximumf %sub3A_380, %max3A_382 : vector<16xf32>
        %sub3A_384 = arith.constant 0.0202974696 : f32
        %sub3A_385 = vector.broadcast %sub3A_384 : f32 to vector<16xf32>
        %sub3A_386 = arith.subf %add3A_173, %sub3A_385 : vector<16xf32>
        %max3A_387 = arith.constant 2.000000e+00 : f32
        %max3A_388 = vector.broadcast %max3A_387 : f32 to vector<16xf32>
        %max3A_389 = arith.maximumf %sub3A_386, %max3A_388 : vector<16xf32>
        %sub3A_390 = arith.constant 0.0202974696 : f32
        %sub3A_391 = vector.broadcast %sub3A_390 : f32 to vector<16xf32>
        %sub3A_392 = arith.subf %add3A_176, %sub3A_391 : vector<16xf32>
        %max3A_393 = arith.constant 2.000000e+00 : f32
        %max3A_394 = vector.broadcast %max3A_393 : f32 to vector<16xf32>
        %max3A_395 = arith.maximumf %sub3A_392, %max3A_394 : vector<16xf32>
        %sub3A_396 = arith.constant 0.0202974696 : f32
        %sub3A_397 = vector.broadcast %sub3A_396 : f32 to vector<16xf32>
        %sub3A_398 = arith.subf %add3A_179, %sub3A_397 : vector<16xf32>
        %max3A_399 = arith.constant 2.000000e+00 : f32
        %max3A_400 = vector.broadcast %max3A_399 : f32 to vector<16xf32>
        %max3A_401 = arith.maximumf %sub3A_398, %max3A_400 : vector<16xf32>
        %select_n3A_402 = arith.select %and3A_377, %max3A_401, %while3A_167 : vector<16xi1>, vector<16xf32>
        %select_n3A_403 = arith.select %and3A_370, %max3A_395, %select_n3A_402 : vector<16xi1>, vector<16xf32>
        %select_n3A_404 = arith.select %and3A_363, %max3A_389, %select_n3A_403 : vector<16xi1>, vector<16xf32>
        %select_n3A_405 = arith.select %and3A_357, %max3A_383, %select_n3A_404 : vector<16xi1>, vector<16xf32>
        %not3A_406 = arith.constant dense<true> : vector<16xi1>
        %not3A_407 = arith.xori %and3A_377, %not3A_406 : vector<16xi1>
        %and3A_408 = arith.andi %and3A_373, %not3A_407 : vector<16xi1>
        scf.yield %add3A_179, %and3A_408, %select_n3A_405 : vector<16xf32>, vector<16xi1>, vector<16xf32>
      }
      %swap3A = arith.index_cast %mul3A_22 : i32 to index
      %swap3A_164 = tpu.vector_load %arg14[%swap3A] {strides = array<i32>} : memref<512xf32, #tpu.memory_space<vmem>>, vector<16xf32>,
      tpu.vector_store %arg14[%swap3A], %while3A_163#2 {strides = array<i32>} : memref<512xf32, #tpu.memory_space<vmem>>, vector<16xf32>,
    }
    %scan3A_19 = arith.constant 32 : i32
    "tpu.region"() ({
      %run_scoped3A = tpu.sem_alloc : memref<!tpu.dma_semaphore, #tpu.memory_space<semaphore_mem>>
      %dma_start3A = tpu.memref_slice %arg5[%mul3A_2] : memref<16384xf32, #tpu.memory_space<hbm>> -> memref<512xf32, #tpu.memory_space<hbm>>
      %dma_start3A_20 = tpu.memref_slice %arg5[%mul3A_2] : memref<16384xf32, #tpu.memory_space<hbm>> -> memref<512xf32, #tpu.memory_space<hbm>>
      tpu.enqueue_dma source(%arg14 : memref<512xf32, #tpu.memory_space<vmem>>) target(%dma_start3A_20 : memref<512xf32, #tpu.memory_space<hbm>>) target_semaphore(%run_scoped3A : memref<!tpu.dma_semaphore, #tpu.memory_space<semaphore_mem>>)
      %dma_wait3A = tpu.memref_slice %arg5[%mul3A_2] : memref<16384xf32, #tpu.memory_space<hbm>> -> memref<512xf32, #tpu.memory_space<hbm>>
      %dma_wait3A_21 = tpu.memref_slice %arg5[%mul3A_2] : memref<16384xf32, #tpu.memory_space<hbm>> -> memref<512xf32, #tpu.memory_space<hbm>>
      tpu.wait_dma2 semaphore(%run_scoped3A : memref<!tpu.dma_semaphore, #tpu.memory_space<semaphore_mem>>) src(%arg14 : memref<512xf32, #tpu.memory_space<vmem>>) dst(%dma_wait3A_21 : memref<512xf32, #tpu.memory_space<hbm>>)
      tpu.yield
    }) : () -> ()
    return
  }
}

module attributes {stable_mosaic.version = 14 : i64} {
  func.func @_pack_body(%arg0: i32, %arg1: memref<4x128x128xi8, #tpu.memory_space<vmem>>, %arg2: memref<4x128x128xi8, #tpu.memory_space<vmem>>, %arg3: memref<4x128x128xi8, #tpu.memory_space<vmem>>, %arg4: memref<4x128x128xi8, #tpu.memory_space<vmem>>, %arg5: memref<4x128x128xi8, #tpu.memory_space<vmem>>, %arg6: memref<4x128x128xi8, #tpu.memory_space<vmem>>, %arg7: memref<4x128x128xi8, #tpu.memory_space<vmem>>, %arg8: memref<4x128x128xi8, #tpu.memory_space<vmem>>, %arg9: memref<4x128x128xi8, #tpu.memory_space<vmem>>, %arg10: memref<4x128x128xi8, #tpu.memory_space<vmem>>, %arg11: memref<4x128x128xi8, #tpu.memory_space<vmem>>, %arg12: memref<4x128x128xi8, #tpu.memory_space<vmem>>, %arg13: memref<4x128x128xi8, #tpu.memory_space<vmem>>, %arg14: memref<4x128x128xi8, #tpu.memory_space<vmem>>, %arg15: memref<4x128x128xi8, #tpu.memory_space<vmem>>, %arg16: memref<4x128x128xi8, #tpu.memory_space<vmem>>, %arg17: memref<4x128x128xi8, #tpu.memory_space<vmem>>, %arg18: memref<4x128x128xi8, #tpu.memory_space<vmem>>, %arg19: memref<4x128x128xi8, #tpu.memory_space<vmem>>, %arg20: memref<4x128x128xi8, #tpu.memory_space<vmem>>, %arg21: memref<4x128x128xi8, #tpu.memory_space<vmem>>, %arg22: memref<4x128x128xi8, #tpu.memory_space<vmem>>, %arg23: memref<4x128x128xi8, #tpu.memory_space<vmem>>, %arg24: memref<4x128x128xi8, #tpu.memory_space<vmem>>, %arg25: memref<4x128x128xi8, #tpu.memory_space<vmem>>, %arg26: memref<4x128x128xi8, #tpu.memory_space<vmem>>, %arg27: memref<4x128x128xi8, #tpu.memory_space<vmem>>, %arg28: memref<4x128x128xi8, #tpu.memory_space<vmem>>, %arg29: memref<4x128x128xi8, #tpu.memory_space<vmem>>, %arg30: memref<4x128x128xi8, #tpu.memory_space<vmem>>, %arg31: memref<4x128x128xi8, #tpu.memory_space<vmem>>, %arg32: memref<4x128x128xi8, #tpu.memory_space<vmem>>, %arg33: memref<4x128x128xi32, #tpu.memory_space<vmem>>) attributes {dimension_semantics = [#tpu.dimension_semantics<arbitrary>], iteration_bounds = array<i64: 1>, scalar_prefetch = 0 : i64, scratch_operands = 0 : i64, tpu.core_type = #tpu.core_type<tc>, window_params = [{transform_indices = @transform_0, window_bounds = array<i64: 4, 128, 128>}, {transform_indices = @transform_1, window_bounds = array<i64: 4, 128, 128>}, {transform_indices = @transform_2, window_bounds = array<i64: 4, 128, 128>}, {transform_indices = @transform_3, window_bounds = array<i64: 4, 128, 128>}, {transform_indices = @transform_4, window_bounds = array<i64: 4, 128, 128>}, {transform_indices = @transform_5, window_bounds = array<i64: 4, 128, 128>}, {transform_indices = @transform_6, window_bounds = array<i64: 4, 128, 128>}, {transform_indices = @transform_7, window_bounds = array<i64: 4, 128, 128>}, {transform_indices = @transform_8, window_bounds = array<i64: 4, 128, 128>}, {transform_indices = @transform_9, window_bounds = array<i64: 4, 128, 128>}, {transform_indices = @transform_10, window_bounds = array<i64: 4, 128, 128>}, {transform_indices = @transform_11, window_bounds = array<i64: 4, 128, 128>}, {transform_indices = @transform_12, window_bounds = array<i64: 4, 128, 128>}, {transform_indices = @transform_13, window_bounds = array<i64: 4, 128, 128>}, {transform_indices = @transform_14, window_bounds = array<i64: 4, 128, 128>}, {transform_indices = @transform_15, window_bounds = array<i64: 4, 128, 128>}, {transform_indices = @transform_16, window_bounds = array<i64: 4, 128, 128>}, {transform_indices = @transform_17, window_bounds = array<i64: 4, 128, 128>}, {transform_indices = @transform_18, window_bounds = array<i64: 4, 128, 128>}, {transform_indices = @transform_19, window_bounds = array<i64: 4, 128, 128>}, {transform_indices = @transform_20, window_bounds = array<i64: 4, 128, 128>}, {transform_indices = @transform_21, window_bounds = array<i64: 4, 128, 128>}, {transform_indices = @transform_22, window_bounds = array<i64: 4, 128, 128>}, {transform_indices = @transform_23, window_bounds = array<i64: 4, 128, 128>}, {transform_indices = @transform_24, window_bounds = array<i64: 4, 128, 128>}, {transform_indices = @transform_25, window_bounds = array<i64: 4, 128, 128>}, {transform_indices = @transform_26, window_bounds = array<i64: 4, 128, 128>}, {transform_indices = @transform_27, window_bounds = array<i64: 4, 128, 128>}, {transform_indices = @transform_28, window_bounds = array<i64: 4, 128, 128>}, {transform_indices = @transform_29, window_bounds = array<i64: 4, 128, 128>}, {transform_indices = @transform_30, window_bounds = array<i64: 4, 128, 128>}, {transform_indices = @transform_31, window_bounds = array<i64: 4, 128, 128>}, {transform_indices = @transform_32, window_bounds = array<i64: 4, 128, 128>}]} {
    %get3A = arith.constant 0 : index
    %get3A_0 = arith.constant 0 : index
    %get3A_1 = arith.constant 0 : index
    %get3A_2 = vector.load %arg1[%get3A, %get3A_0, %get3A_1] : memref<4x128x128xi8, #tpu.memory_space<vmem>>, vector<4x128x128xi8>
    %convert_element_type3A = arith.extsi %get3A_2 : vector<4x128x128xi8> to vector<4x128x128xi32>
    %get3A_3 = arith.constant 0 : index
    %get3A_4 = arith.constant 0 : index
    %get3A_5 = arith.constant 0 : index
    %get3A_6 = vector.load %arg2[%get3A_3, %get3A_4, %get3A_5] : memref<4x128x128xi8, #tpu.memory_space<vmem>>, vector<4x128x128xi8>
    %convert_element_type3A_7 = arith.extsi %get3A_6 : vector<4x128x128xi8> to vector<4x128x128xi32>
    %shift_left3A = arith.constant 1 : i32
    %shift_left3A_8 = vector.broadcast %shift_left3A : i32 to vector<4x128x128xi32>
    %shift_left3A_9 = arith.shli %convert_element_type3A_7, %shift_left3A_8 : vector<4x128x128xi32>
    %add3A = arith.addi %convert_element_type3A, %shift_left3A_9 : vector<4x128x128xi32>
    %get3A_10 = arith.constant 0 : index
    %get3A_11 = arith.constant 0 : index
    %get3A_12 = arith.constant 0 : index
    %get3A_13 = vector.load %arg3[%get3A_10, %get3A_11, %get3A_12] : memref<4x128x128xi8, #tpu.memory_space<vmem>>, vector<4x128x128xi8>
    %convert_element_type3A_14 = arith.extsi %get3A_13 : vector<4x128x128xi8> to vector<4x128x128xi32>
    %shift_left3A_15 = arith.constant 2 : i32
    %shift_left3A_16 = vector.broadcast %shift_left3A_15 : i32 to vector<4x128x128xi32>
    %shift_left3A_17 = arith.shli %convert_element_type3A_14, %shift_left3A_16 : vector<4x128x128xi32>
    %add3A_18 = arith.addi %add3A, %shift_left3A_17 : vector<4x128x128xi32>
    %get3A_19 = arith.constant 0 : index
    %get3A_20 = arith.constant 0 : index
    %get3A_21 = arith.constant 0 : index
    %get3A_22 = vector.load %arg4[%get3A_19, %get3A_20, %get3A_21] : memref<4x128x128xi8, #tpu.memory_space<vmem>>, vector<4x128x128xi8>
    %convert_element_type3A_23 = arith.extsi %get3A_22 : vector<4x128x128xi8> to vector<4x128x128xi32>
    %shift_left3A_24 = arith.constant 3 : i32
    %shift_left3A_25 = vector.broadcast %shift_left3A_24 : i32 to vector<4x128x128xi32>
    %shift_left3A_26 = arith.shli %convert_element_type3A_23, %shift_left3A_25 : vector<4x128x128xi32>
    %add3A_27 = arith.addi %add3A_18, %shift_left3A_26 : vector<4x128x128xi32>
    %get3A_28 = arith.constant 0 : index
    %get3A_29 = arith.constant 0 : index
    %get3A_30 = arith.constant 0 : index
    %get3A_31 = vector.load %arg5[%get3A_28, %get3A_29, %get3A_30] : memref<4x128x128xi8, #tpu.memory_space<vmem>>, vector<4x128x128xi8>
    %convert_element_type3A_32 = arith.extsi %get3A_31 : vector<4x128x128xi8> to vector<4x128x128xi32>
    %shift_left3A_33 = arith.constant 4 : i32
    %shift_left3A_34 = vector.broadcast %shift_left3A_33 : i32 to vector<4x128x128xi32>
    %shift_left3A_35 = arith.shli %convert_element_type3A_32, %shift_left3A_34 : vector<4x128x128xi32>
    %add3A_36 = arith.addi %add3A_27, %shift_left3A_35 : vector<4x128x128xi32>
    %get3A_37 = arith.constant 0 : index
    %get3A_38 = arith.constant 0 : index
    %get3A_39 = arith.constant 0 : index
    %get3A_40 = vector.load %arg6[%get3A_37, %get3A_38, %get3A_39] : memref<4x128x128xi8, #tpu.memory_space<vmem>>, vector<4x128x128xi8>
    %convert_element_type3A_41 = arith.extsi %get3A_40 : vector<4x128x128xi8> to vector<4x128x128xi32>
    %shift_left3A_42 = arith.constant 5 : i32
    %shift_left3A_43 = vector.broadcast %shift_left3A_42 : i32 to vector<4x128x128xi32>
    %shift_left3A_44 = arith.shli %convert_element_type3A_41, %shift_left3A_43 : vector<4x128x128xi32>
    %add3A_45 = arith.addi %add3A_36, %shift_left3A_44 : vector<4x128x128xi32>
    %get3A_46 = arith.constant 0 : index
    %get3A_47 = arith.constant 0 : index
    %get3A_48 = arith.constant 0 : index
    %get3A_49 = vector.load %arg7[%get3A_46, %get3A_47, %get3A_48] : memref<4x128x128xi8, #tpu.memory_space<vmem>>, vector<4x128x128xi8>
    %convert_element_type3A_50 = arith.extsi %get3A_49 : vector<4x128x128xi8> to vector<4x128x128xi32>
    %shift_left3A_51 = arith.constant 6 : i32
    %shift_left3A_52 = vector.broadcast %shift_left3A_51 : i32 to vector<4x128x128xi32>
    %shift_left3A_53 = arith.shli %convert_element_type3A_50, %shift_left3A_52 : vector<4x128x128xi32>
    %add3A_54 = arith.addi %add3A_45, %shift_left3A_53 : vector<4x128x128xi32>
    %get3A_55 = arith.constant 0 : index
    %get3A_56 = arith.constant 0 : index
    %get3A_57 = arith.constant 0 : index
    %get3A_58 = vector.load %arg8[%get3A_55, %get3A_56, %get3A_57] : memref<4x128x128xi8, #tpu.memory_space<vmem>>, vector<4x128x128xi8>
    %convert_element_type3A_59 = arith.extsi %get3A_58 : vector<4x128x128xi8> to vector<4x128x128xi32>
    %shift_left3A_60 = arith.constant 7 : i32
    %shift_left3A_61 = vector.broadcast %shift_left3A_60 : i32 to vector<4x128x128xi32>
    %shift_left3A_62 = arith.shli %convert_element_type3A_59, %shift_left3A_61 : vector<4x128x128xi32>
    %add3A_63 = arith.addi %add3A_54, %shift_left3A_62 : vector<4x128x128xi32>
    %get3A_64 = arith.constant 0 : index
    %get3A_65 = arith.constant 0 : index
    %get3A_66 = arith.constant 0 : index
    %get3A_67 = vector.load %arg9[%get3A_64, %get3A_65, %get3A_66] : memref<4x128x128xi8, #tpu.memory_space<vmem>>, vector<4x128x128xi8>
    %convert_element_type3A_68 = arith.extsi %get3A_67 : vector<4x128x128xi8> to vector<4x128x128xi32>
    %shift_left3A_69 = arith.constant 8 : i32
    %shift_left3A_70 = vector.broadcast %shift_left3A_69 : i32 to vector<4x128x128xi32>
    %shift_left3A_71 = arith.shli %convert_element_type3A_68, %shift_left3A_70 : vector<4x128x128xi32>
    %add3A_72 = arith.addi %add3A_63, %shift_left3A_71 : vector<4x128x128xi32>
    %get3A_73 = arith.constant 0 : index
    %get3A_74 = arith.constant 0 : index
    %get3A_75 = arith.constant 0 : index
    %get3A_76 = vector.load %arg10[%get3A_73, %get3A_74, %get3A_75] : memref<4x128x128xi8, #tpu.memory_space<vmem>>, vector<4x128x128xi8>
    %convert_element_type3A_77 = arith.extsi %get3A_76 : vector<4x128x128xi8> to vector<4x128x128xi32>
    %shift_left3A_78 = arith.constant 9 : i32
    %shift_left3A_79 = vector.broadcast %shift_left3A_78 : i32 to vector<4x128x128xi32>
    %shift_left3A_80 = arith.shli %convert_element_type3A_77, %shift_left3A_79 : vector<4x128x128xi32>
    %add3A_81 = arith.addi %add3A_72, %shift_left3A_80 : vector<4x128x128xi32>
    %get3A_82 = arith.constant 0 : index
    %get3A_83 = arith.constant 0 : index
    %get3A_84 = arith.constant 0 : index
    %get3A_85 = vector.load %arg11[%get3A_82, %get3A_83, %get3A_84] : memref<4x128x128xi8, #tpu.memory_space<vmem>>, vector<4x128x128xi8>
    %convert_element_type3A_86 = arith.extsi %get3A_85 : vector<4x128x128xi8> to vector<4x128x128xi32>
    %shift_left3A_87 = arith.constant 10 : i32
    %shift_left3A_88 = vector.broadcast %shift_left3A_87 : i32 to vector<4x128x128xi32>
    %shift_left3A_89 = arith.shli %convert_element_type3A_86, %shift_left3A_88 : vector<4x128x128xi32>
    %add3A_90 = arith.addi %add3A_81, %shift_left3A_89 : vector<4x128x128xi32>
    %get3A_91 = arith.constant 0 : index
    %get3A_92 = arith.constant 0 : index
    %get3A_93 = arith.constant 0 : index
    %get3A_94 = vector.load %arg12[%get3A_91, %get3A_92, %get3A_93] : memref<4x128x128xi8, #tpu.memory_space<vmem>>, vector<4x128x128xi8>
    %convert_element_type3A_95 = arith.extsi %get3A_94 : vector<4x128x128xi8> to vector<4x128x128xi32>
    %shift_left3A_96 = arith.constant 11 : i32
    %shift_left3A_97 = vector.broadcast %shift_left3A_96 : i32 to vector<4x128x128xi32>
    %shift_left3A_98 = arith.shli %convert_element_type3A_95, %shift_left3A_97 : vector<4x128x128xi32>
    %add3A_99 = arith.addi %add3A_90, %shift_left3A_98 : vector<4x128x128xi32>
    %get3A_100 = arith.constant 0 : index
    %get3A_101 = arith.constant 0 : index
    %get3A_102 = arith.constant 0 : index
    %get3A_103 = vector.load %arg13[%get3A_100, %get3A_101, %get3A_102] : memref<4x128x128xi8, #tpu.memory_space<vmem>>, vector<4x128x128xi8>
    %convert_element_type3A_104 = arith.extsi %get3A_103 : vector<4x128x128xi8> to vector<4x128x128xi32>
    %shift_left3A_105 = arith.constant 12 : i32
    %shift_left3A_106 = vector.broadcast %shift_left3A_105 : i32 to vector<4x128x128xi32>
    %shift_left3A_107 = arith.shli %convert_element_type3A_104, %shift_left3A_106 : vector<4x128x128xi32>
    %add3A_108 = arith.addi %add3A_99, %shift_left3A_107 : vector<4x128x128xi32>
    %get3A_109 = arith.constant 0 : index
    %get3A_110 = arith.constant 0 : index
    %get3A_111 = arith.constant 0 : index
    %get3A_112 = vector.load %arg14[%get3A_109, %get3A_110, %get3A_111] : memref<4x128x128xi8, #tpu.memory_space<vmem>>, vector<4x128x128xi8>
    %convert_element_type3A_113 = arith.extsi %get3A_112 : vector<4x128x128xi8> to vector<4x128x128xi32>
    %shift_left3A_114 = arith.constant 13 : i32
    %shift_left3A_115 = vector.broadcast %shift_left3A_114 : i32 to vector<4x128x128xi32>
    %shift_left3A_116 = arith.shli %convert_element_type3A_113, %shift_left3A_115 : vector<4x128x128xi32>
    %add3A_117 = arith.addi %add3A_108, %shift_left3A_116 : vector<4x128x128xi32>
    %get3A_118 = arith.constant 0 : index
    %get3A_119 = arith.constant 0 : index
    %get3A_120 = arith.constant 0 : index
    %get3A_121 = vector.load %arg15[%get3A_118, %get3A_119, %get3A_120] : memref<4x128x128xi8, #tpu.memory_space<vmem>>, vector<4x128x128xi8>
    %convert_element_type3A_122 = arith.extsi %get3A_121 : vector<4x128x128xi8> to vector<4x128x128xi32>
    %shift_left3A_123 = arith.constant 14 : i32
    %shift_left3A_124 = vector.broadcast %shift_left3A_123 : i32 to vector<4x128x128xi32>
    %shift_left3A_125 = arith.shli %convert_element_type3A_122, %shift_left3A_124 : vector<4x128x128xi32>
    %add3A_126 = arith.addi %add3A_117, %shift_left3A_125 : vector<4x128x128xi32>
    %get3A_127 = arith.constant 0 : index
    %get3A_128 = arith.constant 0 : index
    %get3A_129 = arith.constant 0 : index
    %get3A_130 = vector.load %arg16[%get3A_127, %get3A_128, %get3A_129] : memref<4x128x128xi8, #tpu.memory_space<vmem>>, vector<4x128x128xi8>
    %convert_element_type3A_131 = arith.extsi %get3A_130 : vector<4x128x128xi8> to vector<4x128x128xi32>
    %shift_left3A_132 = arith.constant 15 : i32
    %shift_left3A_133 = vector.broadcast %shift_left3A_132 : i32 to vector<4x128x128xi32>
    %shift_left3A_134 = arith.shli %convert_element_type3A_131, %shift_left3A_133 : vector<4x128x128xi32>
    %add3A_135 = arith.addi %add3A_126, %shift_left3A_134 : vector<4x128x128xi32>
    %get3A_136 = arith.constant 0 : index
    %get3A_137 = arith.constant 0 : index
    %get3A_138 = arith.constant 0 : index
    %get3A_139 = vector.load %arg17[%get3A_136, %get3A_137, %get3A_138] : memref<4x128x128xi8, #tpu.memory_space<vmem>>, vector<4x128x128xi8>
    %convert_element_type3A_140 = arith.extsi %get3A_139 : vector<4x128x128xi8> to vector<4x128x128xi32>
    %shift_left3A_141 = arith.constant 16 : i32
    %shift_left3A_142 = vector.broadcast %shift_left3A_141 : i32 to vector<4x128x128xi32>
    %shift_left3A_143 = arith.shli %convert_element_type3A_140, %shift_left3A_142 : vector<4x128x128xi32>
    %add3A_144 = arith.addi %add3A_135, %shift_left3A_143 : vector<4x128x128xi32>
    %get3A_145 = arith.constant 0 : index
    %get3A_146 = arith.constant 0 : index
    %get3A_147 = arith.constant 0 : index
    %get3A_148 = vector.load %arg18[%get3A_145, %get3A_146, %get3A_147] : memref<4x128x128xi8, #tpu.memory_space<vmem>>, vector<4x128x128xi8>
    %convert_element_type3A_149 = arith.extsi %get3A_148 : vector<4x128x128xi8> to vector<4x128x128xi32>
    %shift_left3A_150 = arith.constant 17 : i32
    %shift_left3A_151 = vector.broadcast %shift_left3A_150 : i32 to vector<4x128x128xi32>
    %shift_left3A_152 = arith.shli %convert_element_type3A_149, %shift_left3A_151 : vector<4x128x128xi32>
    %add3A_153 = arith.addi %add3A_144, %shift_left3A_152 : vector<4x128x128xi32>
    %get3A_154 = arith.constant 0 : index
    %get3A_155 = arith.constant 0 : index
    %get3A_156 = arith.constant 0 : index
    %get3A_157 = vector.load %arg19[%get3A_154, %get3A_155, %get3A_156] : memref<4x128x128xi8, #tpu.memory_space<vmem>>, vector<4x128x128xi8>
    %convert_element_type3A_158 = arith.extsi %get3A_157 : vector<4x128x128xi8> to vector<4x128x128xi32>
    %shift_left3A_159 = arith.constant 18 : i32
    %shift_left3A_160 = vector.broadcast %shift_left3A_159 : i32 to vector<4x128x128xi32>
    %shift_left3A_161 = arith.shli %convert_element_type3A_158, %shift_left3A_160 : vector<4x128x128xi32>
    %add3A_162 = arith.addi %add3A_153, %shift_left3A_161 : vector<4x128x128xi32>
    %get3A_163 = arith.constant 0 : index
    %get3A_164 = arith.constant 0 : index
    %get3A_165 = arith.constant 0 : index
    %get3A_166 = vector.load %arg20[%get3A_163, %get3A_164, %get3A_165] : memref<4x128x128xi8, #tpu.memory_space<vmem>>, vector<4x128x128xi8>
    %convert_element_type3A_167 = arith.extsi %get3A_166 : vector<4x128x128xi8> to vector<4x128x128xi32>
    %shift_left3A_168 = arith.constant 19 : i32
    %shift_left3A_169 = vector.broadcast %shift_left3A_168 : i32 to vector<4x128x128xi32>
    %shift_left3A_170 = arith.shli %convert_element_type3A_167, %shift_left3A_169 : vector<4x128x128xi32>
    %add3A_171 = arith.addi %add3A_162, %shift_left3A_170 : vector<4x128x128xi32>
    %get3A_172 = arith.constant 0 : index
    %get3A_173 = arith.constant 0 : index
    %get3A_174 = arith.constant 0 : index
    %get3A_175 = vector.load %arg21[%get3A_172, %get3A_173, %get3A_174] : memref<4x128x128xi8, #tpu.memory_space<vmem>>, vector<4x128x128xi8>
    %convert_element_type3A_176 = arith.extsi %get3A_175 : vector<4x128x128xi8> to vector<4x128x128xi32>
    %shift_left3A_177 = arith.constant 20 : i32
    %shift_left3A_178 = vector.broadcast %shift_left3A_177 : i32 to vector<4x128x128xi32>
    %shift_left3A_179 = arith.shli %convert_element_type3A_176, %shift_left3A_178 : vector<4x128x128xi32>
    %add3A_180 = arith.addi %add3A_171, %shift_left3A_179 : vector<4x128x128xi32>
    %get3A_181 = arith.constant 0 : index
    %get3A_182 = arith.constant 0 : index
    %get3A_183 = arith.constant 0 : index
    %get3A_184 = vector.load %arg22[%get3A_181, %get3A_182, %get3A_183] : memref<4x128x128xi8, #tpu.memory_space<vmem>>, vector<4x128x128xi8>
    %convert_element_type3A_185 = arith.extsi %get3A_184 : vector<4x128x128xi8> to vector<4x128x128xi32>
    %shift_left3A_186 = arith.constant 21 : i32
    %shift_left3A_187 = vector.broadcast %shift_left3A_186 : i32 to vector<4x128x128xi32>
    %shift_left3A_188 = arith.shli %convert_element_type3A_185, %shift_left3A_187 : vector<4x128x128xi32>
    %add3A_189 = arith.addi %add3A_180, %shift_left3A_188 : vector<4x128x128xi32>
    %get3A_190 = arith.constant 0 : index
    %get3A_191 = arith.constant 0 : index
    %get3A_192 = arith.constant 0 : index
    %get3A_193 = vector.load %arg23[%get3A_190, %get3A_191, %get3A_192] : memref<4x128x128xi8, #tpu.memory_space<vmem>>, vector<4x128x128xi8>
    %convert_element_type3A_194 = arith.extsi %get3A_193 : vector<4x128x128xi8> to vector<4x128x128xi32>
    %shift_left3A_195 = arith.constant 22 : i32
    %shift_left3A_196 = vector.broadcast %shift_left3A_195 : i32 to vector<4x128x128xi32>
    %shift_left3A_197 = arith.shli %convert_element_type3A_194, %shift_left3A_196 : vector<4x128x128xi32>
    %add3A_198 = arith.addi %add3A_189, %shift_left3A_197 : vector<4x128x128xi32>
    %get3A_199 = arith.constant 0 : index
    %get3A_200 = arith.constant 0 : index
    %get3A_201 = arith.constant 0 : index
    %get3A_202 = vector.load %arg24[%get3A_199, %get3A_200, %get3A_201] : memref<4x128x128xi8, #tpu.memory_space<vmem>>, vector<4x128x128xi8>
    %convert_element_type3A_203 = arith.extsi %get3A_202 : vector<4x128x128xi8> to vector<4x128x128xi32>
    %shift_left3A_204 = arith.constant 23 : i32
    %shift_left3A_205 = vector.broadcast %shift_left3A_204 : i32 to vector<4x128x128xi32>
    %shift_left3A_206 = arith.shli %convert_element_type3A_203, %shift_left3A_205 : vector<4x128x128xi32>
    %add3A_207 = arith.addi %add3A_198, %shift_left3A_206 : vector<4x128x128xi32>
    %get3A_208 = arith.constant 0 : index
    %get3A_209 = arith.constant 0 : index
    %get3A_210 = arith.constant 0 : index
    %get3A_211 = vector.load %arg25[%get3A_208, %get3A_209, %get3A_210] : memref<4x128x128xi8, #tpu.memory_space<vmem>>, vector<4x128x128xi8>
    %convert_element_type3A_212 = arith.extsi %get3A_211 : vector<4x128x128xi8> to vector<4x128x128xi32>
    %shift_left3A_213 = arith.constant 24 : i32
    %shift_left3A_214 = vector.broadcast %shift_left3A_213 : i32 to vector<4x128x128xi32>
    %shift_left3A_215 = arith.shli %convert_element_type3A_212, %shift_left3A_214 : vector<4x128x128xi32>
    %add3A_216 = arith.addi %add3A_207, %shift_left3A_215 : vector<4x128x128xi32>
    %get3A_217 = arith.constant 0 : index
    %get3A_218 = arith.constant 0 : index
    %get3A_219 = arith.constant 0 : index
    %get3A_220 = vector.load %arg26[%get3A_217, %get3A_218, %get3A_219] : memref<4x128x128xi8, #tpu.memory_space<vmem>>, vector<4x128x128xi8>
    %convert_element_type3A_221 = arith.extsi %get3A_220 : vector<4x128x128xi8> to vector<4x128x128xi32>
    %shift_left3A_222 = arith.constant 25 : i32
    %shift_left3A_223 = vector.broadcast %shift_left3A_222 : i32 to vector<4x128x128xi32>
    %shift_left3A_224 = arith.shli %convert_element_type3A_221, %shift_left3A_223 : vector<4x128x128xi32>
    %add3A_225 = arith.addi %add3A_216, %shift_left3A_224 : vector<4x128x128xi32>
    %get3A_226 = arith.constant 0 : index
    %get3A_227 = arith.constant 0 : index
    %get3A_228 = arith.constant 0 : index
    %get3A_229 = vector.load %arg27[%get3A_226, %get3A_227, %get3A_228] : memref<4x128x128xi8, #tpu.memory_space<vmem>>, vector<4x128x128xi8>
    %convert_element_type3A_230 = arith.extsi %get3A_229 : vector<4x128x128xi8> to vector<4x128x128xi32>
    %shift_left3A_231 = arith.constant 26 : i32
    %shift_left3A_232 = vector.broadcast %shift_left3A_231 : i32 to vector<4x128x128xi32>
    %shift_left3A_233 = arith.shli %convert_element_type3A_230, %shift_left3A_232 : vector<4x128x128xi32>
    %add3A_234 = arith.addi %add3A_225, %shift_left3A_233 : vector<4x128x128xi32>
    %get3A_235 = arith.constant 0 : index
    %get3A_236 = arith.constant 0 : index
    %get3A_237 = arith.constant 0 : index
    %get3A_238 = vector.load %arg28[%get3A_235, %get3A_236, %get3A_237] : memref<4x128x128xi8, #tpu.memory_space<vmem>>, vector<4x128x128xi8>
    %convert_element_type3A_239 = arith.extsi %get3A_238 : vector<4x128x128xi8> to vector<4x128x128xi32>
    %shift_left3A_240 = arith.constant 27 : i32
    %shift_left3A_241 = vector.broadcast %shift_left3A_240 : i32 to vector<4x128x128xi32>
    %shift_left3A_242 = arith.shli %convert_element_type3A_239, %shift_left3A_241 : vector<4x128x128xi32>
    %add3A_243 = arith.addi %add3A_234, %shift_left3A_242 : vector<4x128x128xi32>
    %get3A_244 = arith.constant 0 : index
    %get3A_245 = arith.constant 0 : index
    %get3A_246 = arith.constant 0 : index
    %get3A_247 = vector.load %arg29[%get3A_244, %get3A_245, %get3A_246] : memref<4x128x128xi8, #tpu.memory_space<vmem>>, vector<4x128x128xi8>
    %convert_element_type3A_248 = arith.extsi %get3A_247 : vector<4x128x128xi8> to vector<4x128x128xi32>
    %shift_left3A_249 = arith.constant 28 : i32
    %shift_left3A_250 = vector.broadcast %shift_left3A_249 : i32 to vector<4x128x128xi32>
    %shift_left3A_251 = arith.shli %convert_element_type3A_248, %shift_left3A_250 : vector<4x128x128xi32>
    %add3A_252 = arith.addi %add3A_243, %shift_left3A_251 : vector<4x128x128xi32>
    %get3A_253 = arith.constant 0 : index
    %get3A_254 = arith.constant 0 : index
    %get3A_255 = arith.constant 0 : index
    %get3A_256 = vector.load %arg30[%get3A_253, %get3A_254, %get3A_255] : memref<4x128x128xi8, #tpu.memory_space<vmem>>, vector<4x128x128xi8>
    %convert_element_type3A_257 = arith.extsi %get3A_256 : vector<4x128x128xi8> to vector<4x128x128xi32>
    %shift_left3A_258 = arith.constant 29 : i32
    %shift_left3A_259 = vector.broadcast %shift_left3A_258 : i32 to vector<4x128x128xi32>
    %shift_left3A_260 = arith.shli %convert_element_type3A_257, %shift_left3A_259 : vector<4x128x128xi32>
    %add3A_261 = arith.addi %add3A_252, %shift_left3A_260 : vector<4x128x128xi32>
    %get3A_262 = arith.constant 0 : index
    %get3A_263 = arith.constant 0 : index
    %get3A_264 = arith.constant 0 : index
    %get3A_265 = vector.load %arg31[%get3A_262, %get3A_263, %get3A_264] : memref<4x128x128xi8, #tpu.memory_space<vmem>>, vector<4x128x128xi8>
    %convert_element_type3A_266 = arith.extsi %get3A_265 : vector<4x128x128xi8> to vector<4x128x128xi32>
    %shift_left3A_267 = arith.constant 30 : i32
    %shift_left3A_268 = vector.broadcast %shift_left3A_267 : i32 to vector<4x128x128xi32>
    %shift_left3A_269 = arith.shli %convert_element_type3A_266, %shift_left3A_268 : vector<4x128x128xi32>
    %add3A_270 = arith.addi %add3A_261, %shift_left3A_269 : vector<4x128x128xi32>
    %get3A_271 = arith.constant 0 : index
    %get3A_272 = arith.constant 0 : index
    %get3A_273 = arith.constant 0 : index
    %get3A_274 = vector.load %arg32[%get3A_271, %get3A_272, %get3A_273] : memref<4x128x128xi8, #tpu.memory_space<vmem>>, vector<4x128x128xi8>
    %convert_element_type3A_275 = arith.extsi %get3A_274 : vector<4x128x128xi8> to vector<4x128x128xi32>
    %shift_left3A_276 = arith.constant 31 : i32
    %shift_left3A_277 = vector.broadcast %shift_left3A_276 : i32 to vector<4x128x128xi32>
    %shift_left3A_278 = arith.shli %convert_element_type3A_275, %shift_left3A_277 : vector<4x128x128xi32>
    %add3A_279 = arith.addi %add3A_270, %shift_left3A_278 : vector<4x128x128xi32>
    %swap3A = arith.constant 0 : index
    %swap3A_280 = arith.constant 0 : index
    %swap3A_281 = arith.constant 0 : index
    %swap3A_282 = vector.load %arg33[%swap3A, %swap3A_280, %swap3A_281] : memref<4x128x128xi32, #tpu.memory_space<vmem>>, vector<4x128x128xi32>
    tpu.vector_store %arg33[%swap3A, %swap3A_280, %swap3A_281], %add3A_279 {strides = array<i32>} : memref<4x128x128xi32, #tpu.memory_space<vmem>>, vector<4x128x128xi32>,
    return
  }
  func.func @transform_0(%arg0: i32) -> (i32, i32, i32) {
    %c0_i32 = arith.constant 0 : i32
    %c0_i32_0 = arith.constant 0 : i32
    %c0_i32_1 = arith.constant 0 : i32
    return %c0_i32, %c0_i32_0, %arg0 : i32, i32, i32
  }
  func.func @transform_1(%arg0: i32) -> (i32, i32, i32) {
    %c1_i32 = arith.constant 1 : i32
    %c0_i32 = arith.constant 0 : i32
    %c0_i32_0 = arith.constant 0 : i32
    return %c1_i32, %c0_i32, %arg0 : i32, i32, i32
  }
  func.func @transform_2(%arg0: i32) -> (i32, i32, i32) {
    %c2_i32 = arith.constant 2 : i32
    %c0_i32 = arith.constant 0 : i32
    %c0_i32_0 = arith.constant 0 : i32
    return %c2_i32, %c0_i32, %arg0 : i32, i32, i32
  }
  func.func @transform_3(%arg0: i32) -> (i32, i32, i32) {
    %c3_i32 = arith.constant 3 : i32
    %c0_i32 = arith.constant 0 : i32
    %c0_i32_0 = arith.constant 0 : i32
    return %c3_i32, %c0_i32, %arg0 : i32, i32, i32
  }
  func.func @transform_4(%arg0: i32) -> (i32, i32, i32) {
    %c4_i32 = arith.constant 4 : i32
    %c0_i32 = arith.constant 0 : i32
    %c0_i32_0 = arith.constant 0 : i32
    return %c4_i32, %c0_i32, %arg0 : i32, i32, i32
  }
  func.func @transform_5(%arg0: i32) -> (i32, i32, i32) {
    %c5_i32 = arith.constant 5 : i32
    %c0_i32 = arith.constant 0 : i32
    %c0_i32_0 = arith.constant 0 : i32
    return %c5_i32, %c0_i32, %arg0 : i32, i32, i32
  }
  func.func @transform_6(%arg0: i32) -> (i32, i32, i32) {
    %c6_i32 = arith.constant 6 : i32
    %c0_i32 = arith.constant 0 : i32
    %c0_i32_0 = arith.constant 0 : i32
    return %c6_i32, %c0_i32, %arg0 : i32, i32, i32
  }
  func.func @transform_7(%arg0: i32) -> (i32, i32, i32) {
    %c7_i32 = arith.constant 7 : i32
    %c0_i32 = arith.constant 0 : i32
    %c0_i32_0 = arith.constant 0 : i32
    return %c7_i32, %c0_i32, %arg0 : i32, i32, i32
  }
  func.func @transform_8(%arg0: i32) -> (i32, i32, i32) {
    %c8_i32 = arith.constant 8 : i32
    %c0_i32 = arith.constant 0 : i32
    %c0_i32_0 = arith.constant 0 : i32
    return %c8_i32, %c0_i32, %arg0 : i32, i32, i32
  }
  func.func @transform_9(%arg0: i32) -> (i32, i32, i32) {
    %c9_i32 = arith.constant 9 : i32
    %c0_i32 = arith.constant 0 : i32
    %c0_i32_0 = arith.constant 0 : i32
    return %c9_i32, %c0_i32, %arg0 : i32, i32, i32
  }
  func.func @transform_10(%arg0: i32) -> (i32, i32, i32) {
    %c10_i32 = arith.constant 10 : i32
    %c0_i32 = arith.constant 0 : i32
    %c0_i32_0 = arith.constant 0 : i32
    return %c10_i32, %c0_i32, %arg0 : i32, i32, i32
  }
  func.func @transform_11(%arg0: i32) -> (i32, i32, i32) {
    %c11_i32 = arith.constant 11 : i32
    %c0_i32 = arith.constant 0 : i32
    %c0_i32_0 = arith.constant 0 : i32
    return %c11_i32, %c0_i32, %arg0 : i32, i32, i32
  }
  func.func @transform_12(%arg0: i32) -> (i32, i32, i32) {
    %c12_i32 = arith.constant 12 : i32
    %c0_i32 = arith.constant 0 : i32
    %c0_i32_0 = arith.constant 0 : i32
    return %c12_i32, %c0_i32, %arg0 : i32, i32, i32
  }
  func.func @transform_13(%arg0: i32) -> (i32, i32, i32) {
    %c13_i32 = arith.constant 13 : i32
    %c0_i32 = arith.constant 0 : i32
    %c0_i32_0 = arith.constant 0 : i32
    return %c13_i32, %c0_i32, %arg0 : i32, i32, i32
  }
  func.func @transform_14(%arg0: i32) -> (i32, i32, i32) {
    %c14_i32 = arith.constant 14 : i32
    %c0_i32 = arith.constant 0 : i32
    %c0_i32_0 = arith.constant 0 : i32
    return %c14_i32, %c0_i32, %arg0 : i32, i32, i32
  }
  func.func @transform_15(%arg0: i32) -> (i32, i32, i32) {
    %c15_i32 = arith.constant 15 : i32
    %c0_i32 = arith.constant 0 : i32
    %c0_i32_0 = arith.constant 0 : i32
    return %c15_i32, %c0_i32, %arg0 : i32, i32, i32
  }
  func.func @transform_16(%arg0: i32) -> (i32, i32, i32) {
    %c16_i32 = arith.constant 16 : i32
    %c0_i32 = arith.constant 0 : i32
    %c0_i32_0 = arith.constant 0 : i32
    return %c16_i32, %c0_i32, %arg0 : i32, i32, i32
  }
  func.func @transform_17(%arg0: i32) -> (i32, i32, i32) {
    %c17_i32 = arith.constant 17 : i32
    %c0_i32 = arith.constant 0 : i32
    %c0_i32_0 = arith.constant 0 : i32
    return %c17_i32, %c0_i32, %arg0 : i32, i32, i32
  }
  func.func @transform_18(%arg0: i32) -> (i32, i32, i32) {
    %c18_i32 = arith.constant 18 : i32
    %c0_i32 = arith.constant 0 : i32
    %c0_i32_0 = arith.constant 0 : i32
    return %c18_i32, %c0_i32, %arg0 : i32, i32, i32
  }
  func.func @transform_19(%arg0: i32) -> (i32, i32, i32) {
    %c19_i32 = arith.constant 19 : i32
    %c0_i32 = arith.constant 0 : i32
    %c0_i32_0 = arith.constant 0 : i32
    return %c19_i32, %c0_i32, %arg0 : i32, i32, i32
  }
  func.func @transform_20(%arg0: i32) -> (i32, i32, i32) {
    %c20_i32 = arith.constant 20 : i32
    %c0_i32 = arith.constant 0 : i32
    %c0_i32_0 = arith.constant 0 : i32
    return %c20_i32, %c0_i32, %arg0 : i32, i32, i32
  }
  func.func @transform_21(%arg0: i32) -> (i32, i32, i32) {
    %c21_i32 = arith.constant 21 : i32
    %c0_i32 = arith.constant 0 : i32
    %c0_i32_0 = arith.constant 0 : i32
    return %c21_i32, %c0_i32, %arg0 : i32, i32, i32
  }
  func.func @transform_22(%arg0: i32) -> (i32, i32, i32) {
    %c22_i32 = arith.constant 22 : i32
    %c0_i32 = arith.constant 0 : i32
    %c0_i32_0 = arith.constant 0 : i32
    return %c22_i32, %c0_i32, %arg0 : i32, i32, i32
  }
  func.func @transform_23(%arg0: i32) -> (i32, i32, i32) {
    %c23_i32 = arith.constant 23 : i32
    %c0_i32 = arith.constant 0 : i32
    %c0_i32_0 = arith.constant 0 : i32
    return %c23_i32, %c0_i32, %arg0 : i32, i32, i32
  }
  func.func @transform_24(%arg0: i32) -> (i32, i32, i32) {
    %c24_i32 = arith.constant 24 : i32
    %c0_i32 = arith.constant 0 : i32
    %c0_i32_0 = arith.constant 0 : i32
    return %c24_i32, %c0_i32, %arg0 : i32, i32, i32
  }
  func.func @transform_25(%arg0: i32) -> (i32, i32, i32) {
    %c25_i32 = arith.constant 25 : i32
    %c0_i32 = arith.constant 0 : i32
    %c0_i32_0 = arith.constant 0 : i32
    return %c25_i32, %c0_i32, %arg0 : i32, i32, i32
  }
  func.func @transform_26(%arg0: i32) -> (i32, i32, i32) {
    %c26_i32 = arith.constant 26 : i32
    %c0_i32 = arith.constant 0 : i32
    %c0_i32_0 = arith.constant 0 : i32
    return %c26_i32, %c0_i32, %arg0 : i32, i32, i32
  }
  func.func @transform_27(%arg0: i32) -> (i32, i32, i32) {
    %c27_i32 = arith.constant 27 : i32
    %c0_i32 = arith.constant 0 : i32
    %c0_i32_0 = arith.constant 0 : i32
    return %c27_i32, %c0_i32, %arg0 : i32, i32, i32
  }
  func.func @transform_28(%arg0: i32) -> (i32, i32, i32) {
    %c28_i32 = arith.constant 28 : i32
    %c0_i32 = arith.constant 0 : i32
    %c0_i32_0 = arith.constant 0 : i32
    return %c28_i32, %c0_i32, %arg0 : i32, i32, i32
  }
  func.func @transform_29(%arg0: i32) -> (i32, i32, i32) {
    %c29_i32 = arith.constant 29 : i32
    %c0_i32 = arith.constant 0 : i32
    %c0_i32_0 = arith.constant 0 : i32
    return %c29_i32, %c0_i32, %arg0 : i32, i32, i32
  }
  func.func @transform_30(%arg0: i32) -> (i32, i32, i32) {
    %c30_i32 = arith.constant 30 : i32
    %c0_i32 = arith.constant 0 : i32
    %c0_i32_0 = arith.constant 0 : i32
    return %c30_i32, %c0_i32, %arg0 : i32, i32, i32
  }
  func.func @transform_31(%arg0: i32) -> (i32, i32, i32) {
    %c31_i32 = arith.constant 31 : i32
    %c0_i32 = arith.constant 0 : i32
    %c0_i32_0 = arith.constant 0 : i32
    return %c31_i32, %c0_i32, %arg0 : i32, i32, i32
  }
  func.func @transform_32(%arg0: i32) -> (i32, i32, i32) {
    %c0_i32 = arith.constant 0 : i32
    %c0_i32_0 = arith.constant 0 : i32
    %c0_i32_1 = arith.constant 0 : i32
    return %c0_i32, %c0_i32_0, %arg0 : i32, i32, i32
  }
}

module attributes {stable_mosaic.version = 14 : i64} {
  func.func @_tc_body(%arg0: i32, %arg1: memref<4096x1xf32, #tpu.memory_space<vmem>>, %arg2: memref<4096x128xf32, #tpu.memory_space<vmem>>, %arg3: memref<2x4096x3xf32, #tpu.memory_space<vmem>>, %arg4: memref<4x128xf32, #tpu.memory_space<vmem>>, %arg5: memref<4096x128xf32, #tpu.memory_space<vmem>>, %arg6: memref<3x4096x128xf32, #tpu.memory_space<vmem>>) attributes {dimension_semantics = [#tpu.dimension_semantics<arbitrary>], iteration_bounds = array<i64: 4>, scalar_prefetch = 0 : i64, scratch_operands = 0 : i64, tpu.core_type = #tpu.core_type<tc>, window_params = [{transform_indices = @transform_0, window_bounds = array<i64: 4096, 1>}, {transform_indices = @transform_1, window_bounds = array<i64: 4096, 128>}, {transform_indices = @transform_2, window_bounds = array<i64: 2, 4096, 3>}, {pipeline_mode = #tpu.pipeline_mode<synchronous>, transform_indices = @transform_3, window_bounds = array<i64: 4, 128>}, {transform_indices = @transform_4, window_bounds = array<i64: 4096, 128>}, {transform_indices = @transform_5, window_bounds = array<i64: 3, 4096, 128>}]} {
    %get3A = arith.constant 0 : index
    %get3A_0 = arith.constant 0 : index
    %get3A_1 = vector.load %arg1[%get3A, %get3A_0] : memref<4096x1xf32, #tpu.memory_space<vmem>>, vector<4096x1xf32>
    %get3A_2 = arith.constant 0 : index
    %get3A_3 = arith.constant 0 : index
    %get3A_4 = vector.load %arg2[%get3A_2, %get3A_3] : memref<4096x128xf32, #tpu.memory_space<vmem>>, vector<4096x128xf32>
    %get3A_5 = arith.constant 0 : index
    %get3A_6 = arith.constant 0 : index
    %get3A_7 = vector.load %arg4[%get3A_5, %get3A_6] : memref<4x128xf32, #tpu.memory_space<vmem>>, vector<1x128xf32>
    %get3A_8 = arith.constant 1 : index
    %get3A_9 = arith.constant 0 : index
    %get3A_10 = vector.load %arg4[%get3A_8, %get3A_9] : memref<4x128xf32, #tpu.memory_space<vmem>>, vector<1x128xf32>
    %get3A_11 = arith.constant 2 : index
    %get3A_12 = arith.constant 0 : index
    %get3A_13 = vector.load %arg4[%get3A_11, %get3A_12] : memref<4x128xf32, #tpu.memory_space<vmem>>, vector<1x128xf32>
    %get3A_14 = arith.constant 3 : index
    %get3A_15 = arith.constant 0 : index
    %get3A_16 = vector.load %arg4[%get3A_14, %get3A_15] : memref<4x128xf32, #tpu.memory_space<vmem>>, vector<1x128xf32>
    %mul3A = vector.broadcast %get3A_10 : vector<1x128xf32> to vector<4096x128xf32>
    %mul3A_17 = arith.mulf %mul3A, %get3A_4 : vector<4096x128xf32>
    %add3A = vector.broadcast %get3A_7 : vector<1x128xf32> to vector<4096x128xf32>
    %add3A_18 = arith.addf %add3A, %mul3A_17 : vector<4096x128xf32>
    %mul3A_19 = vector.broadcast %get3A_1 : vector<4096x1xf32> to vector<4096x128xf32>
    %mul3A_20 = arith.mulf %mul3A_19, %add3A_18 : vector<4096x128xf32>
    %mul3A_21 = vector.broadcast %get3A_16 : vector<1x128xf32> to vector<4096x128xf32>
    %mul3A_22 = arith.mulf %mul3A_21, %get3A_4 : vector<4096x128xf32>
    %add3A_23 = vector.broadcast %get3A_13 : vector<1x128xf32> to vector<4096x128xf32>
    %add3A_24 = arith.addf %add3A_23, %mul3A_22 : vector<4096x128xf32>
    %add3A_25 = arith.addf %mul3A_20, %add3A_24 : vector<4096x128xf32>
    %swap3A = arith.constant 0 : index
    %swap3A_26 = arith.constant 0 : index
    %swap3A_27 = vector.load %arg5[%swap3A, %swap3A_26] : memref<4096x128xf32, #tpu.memory_space<vmem>>, vector<4096x128xf32>
    tpu.vector_store %arg5[%swap3A, %swap3A_26], %add3A_25 {strides = array<i32>} : memref<4096x128xf32, #tpu.memory_space<vmem>>, vector<4096x128xf32>,
    %get3A_28 = arith.constant 0 : index
    %get3A_29 = arith.constant 0 : index
    %get3A_30 = arith.constant 0 : index
    %get3A_31 = vector.load %arg3[%get3A_28, %get3A_29, %get3A_30] : memref<2x4096x3xf32, #tpu.memory_space<vmem>>, vector<1x4096x1xf32>
    %get3A_32 = vector.shape_cast %get3A_31 : vector<1x4096x1xf32> to vector<4096x1xf32>
    %get3A_33 = arith.constant 1 : index
    %get3A_34 = arith.constant 0 : index
    %get3A_35 = arith.constant 0 : index
    %get3A_36 = vector.load %arg3[%get3A_33, %get3A_34, %get3A_35] : memref<2x4096x3xf32, #tpu.memory_space<vmem>>, vector<1x4096x1xf32>
    %get3A_37 = vector.shape_cast %get3A_36 : vector<1x4096x1xf32> to vector<4096x1xf32>
    %mul3A_38 = vector.broadcast %get3A_37 : vector<4096x1xf32> to vector<4096x128xf32>
    %mul3A_39 = arith.mulf %mul3A_38, %add3A_25 : vector<4096x128xf32>
    %add3A_40 = vector.broadcast %get3A_32 : vector<4096x1xf32> to vector<4096x128xf32>
    %add3A_41 = arith.addf %add3A_40, %mul3A_39 : vector<4096x128xf32>
    %swap3A_42 = arith.constant 0 : index
    %swap3A_43 = arith.constant 0 : index
    %swap3A_44 = arith.constant 0 : index
    %swap3A_45 = vector.load %arg6[%swap3A_42, %swap3A_43, %swap3A_44] : memref<3x4096x128xf32, #tpu.memory_space<vmem>>, vector<1x4096x128xf32>
    %swap3A_46 = vector.shape_cast %swap3A_45 : vector<1x4096x128xf32> to vector<4096x128xf32>
    %swap3A_47 = vector.shape_cast %add3A_41 : vector<4096x128xf32> to vector<1x4096x128xf32>
    tpu.vector_store %arg6[%swap3A_42, %swap3A_43, %swap3A_44], %swap3A_47 {strides = array<i32>} : memref<3x4096x128xf32, #tpu.memory_space<vmem>>, vector<1x4096x128xf32>,
    %get3A_48 = arith.constant 0 : index
    %get3A_49 = arith.constant 0 : index
    %get3A_50 = arith.constant 1 : index
    %get3A_51 = vector.load %arg3[%get3A_48, %get3A_49, %get3A_50] : memref<2x4096x3xf32, #tpu.memory_space<vmem>>, vector<1x4096x1xf32>
    %get3A_52 = vector.shape_cast %get3A_51 : vector<1x4096x1xf32> to vector<4096x1xf32>
    %get3A_53 = arith.constant 1 : index
    %get3A_54 = arith.constant 0 : index
    %get3A_55 = arith.constant 1 : index
    %get3A_56 = vector.load %arg3[%get3A_53, %get3A_54, %get3A_55] : memref<2x4096x3xf32, #tpu.memory_space<vmem>>, vector<1x4096x1xf32>
    %get3A_57 = vector.shape_cast %get3A_56 : vector<1x4096x1xf32> to vector<4096x1xf32>
    %mul3A_58 = vector.broadcast %get3A_57 : vector<4096x1xf32> to vector<4096x128xf32>
    %mul3A_59 = arith.mulf %mul3A_58, %add3A_25 : vector<4096x128xf32>
    %add3A_60 = vector.broadcast %get3A_52 : vector<4096x1xf32> to vector<4096x128xf32>
    %add3A_61 = arith.addf %add3A_60, %mul3A_59 : vector<4096x128xf32>
    %swap3A_62 = arith.constant 1 : index
    %swap3A_63 = arith.constant 0 : index
    %swap3A_64 = arith.constant 0 : index
    %swap3A_65 = vector.load %arg6[%swap3A_62, %swap3A_63, %swap3A_64] : memref<3x4096x128xf32, #tpu.memory_space<vmem>>, vector<1x4096x128xf32>
    %swap3A_66 = vector.shape_cast %swap3A_65 : vector<1x4096x128xf32> to vector<4096x128xf32>
    %swap3A_67 = vector.shape_cast %add3A_61 : vector<4096x128xf32> to vector<1x4096x128xf32>
    tpu.vector_store %arg6[%swap3A_62, %swap3A_63, %swap3A_64], %swap3A_67 {strides = array<i32>} : memref<3x4096x128xf32, #tpu.memory_space<vmem>>, vector<1x4096x128xf32>,
    %get3A_68 = arith.constant 0 : index
    %get3A_69 = arith.constant 0 : index
    %get3A_70 = arith.constant 2 : index
    %get3A_71 = vector.load %arg3[%get3A_68, %get3A_69, %get3A_70] : memref<2x4096x3xf32, #tpu.memory_space<vmem>>, vector<1x4096x1xf32>
    %get3A_72 = vector.shape_cast %get3A_71 : vector<1x4096x1xf32> to vector<4096x1xf32>
    %get3A_73 = arith.constant 1 : index
    %get3A_74 = arith.constant 0 : index
    %get3A_75 = arith.constant 2 : index
    %get3A_76 = vector.load %arg3[%get3A_73, %get3A_74, %get3A_75] : memref<2x4096x3xf32, #tpu.memory_space<vmem>>, vector<1x4096x1xf32>
    %get3A_77 = vector.shape_cast %get3A_76 : vector<1x4096x1xf32> to vector<4096x1xf32>
    %mul3A_78 = vector.broadcast %get3A_77 : vector<4096x1xf32> to vector<4096x128xf32>
    %mul3A_79 = arith.mulf %mul3A_78, %add3A_25 : vector<4096x128xf32>
    %add3A_80 = vector.broadcast %get3A_72 : vector<4096x1xf32> to vector<4096x128xf32>
    %add3A_81 = arith.addf %add3A_80, %mul3A_79 : vector<4096x128xf32>
    %swap3A_82 = arith.constant 2 : index
    %swap3A_83 = arith.constant 0 : index
    %swap3A_84 = arith.constant 0 : index
    %swap3A_85 = vector.load %arg6[%swap3A_82, %swap3A_83, %swap3A_84] : memref<3x4096x128xf32, #tpu.memory_space<vmem>>, vector<1x4096x128xf32>
    %swap3A_86 = vector.shape_cast %swap3A_85 : vector<1x4096x128xf32> to vector<4096x128xf32>
    %swap3A_87 = vector.shape_cast %add3A_81 : vector<4096x128xf32> to vector<1x4096x128xf32>
    tpu.vector_store %arg6[%swap3A_82, %swap3A_83, %swap3A_84], %swap3A_87 {strides = array<i32>} : memref<3x4096x128xf32, #tpu.memory_space<vmem>>, vector<1x4096x128xf32>,
    return
  }
  func.func @transform_0(%arg0: i32) -> (i32, i32) {
    %c0_i32 = arith.constant 0 : i32
    %c0_i32_0 = arith.constant 0 : i32
    return %arg0, %c0_i32 : i32, i32
  }
  func.func @transform_1(%arg0: i32) -> (i32, i32) {
    %c0_i32 = arith.constant 0 : i32
    %c0_i32_0 = arith.constant 0 : i32
    return %arg0, %c0_i32 : i32, i32
  }
  func.func @transform_2(%arg0: i32) -> (i32, i32, i32) {
    %c0_i32 = arith.constant 0 : i32
    %c0_i32_0 = arith.constant 0 : i32
    %c0_i32_1 = arith.constant 0 : i32
    return %c0_i32, %arg0, %c0_i32_0 : i32, i32, i32
  }
  func.func @transform_3(%arg0: i32) -> (i32, i32) {
    %c0_i32 = arith.constant 0 : i32
    %c0_i32_0 = arith.constant 0 : i32
    %c0_i32_1 = arith.constant 0 : i32
    return %c0_i32, %c0_i32_0 : i32, i32
  }
  func.func @transform_4(%arg0: i32) -> (i32, i32) {
    %c0_i32 = arith.constant 0 : i32
    %c0_i32_0 = arith.constant 0 : i32
    return %arg0, %c0_i32 : i32, i32
  }
  func.func @transform_5(%arg0: i32) -> (i32, i32, i32) {
    %c0_i32 = arith.constant 0 : i32
    %c0_i32_0 = arith.constant 0 : i32
    %c0_i32_1 = arith.constant 0 : i32
    return %c0_i32, %arg0, %c0_i32_0 : i32, i32, i32
  }
}

</mosaic_0001>

<sc_bundles>
// kernel: kernel.5.cloned.1.call-start
scs
__scs_entry_jumppad:
0x0: {  	(pc) =	sbr.rel $0x88, $3  }
0x1: {  	(tag) =	ssettag $0x0;
	lr =	simm.s32 $0x1  }
0x2: {  	[smem:$0x3F9D] =	sst lr;
	_ =	strace $0xD0000000  }
0x3: {  	_ = 	snop  }
0x4: {  	_ = 	snop  }
0x5: {  	_ = 	snop  }
0x6: {  	_ = 	snop  }
0x7: {  	_ = 	snop  }
__scs_overlays_trampoline_lowered:
0x8: {  	[smem:$0x3FAC] =	sst s0  }
0x9: {  	[smem:$0x3FAD] =	sst s1  }
0xa: {  	[smem:$0x3FAE] =	sst s2  }
0xb: {  	[smem:$0x3FAF] =	sst s3  }
0xc: {  	[smem:$0x3FB0] =	sst s4  }
0xd: {  	[smem:$0x3FB1] =	sst s5  }
0xe: {  	[smem:$0x3FB2] =	sst s6  }
0xf: {  	[smem:$0x3FB3] =	sst s7  }
0x10: {  	[smem:$0x3FB4] =	sst s8  }
0x11: {  	[smem:$0x3FB5] =	sst s9;
	s0 =	simm.s32 @!p0 $0x0  }
0x12: {  	s1 =	sld [smem:$0x3F9B];
	s0 =	simm.s32 @p0 $0x1  }
0x13: {  	[smem:$0x3FB6] =	sst s0;
	s0 =	simm.s32 @!p1 $0x0  }
0x14: {  	s2 =	sld [smem:$0x3F9A];
	s0 =	simm.s32 @p1 $0x1  }
0x15: {  	[smem:$0x3FB7] =	sst s0;
	s0 =	simm.s32 @!p2 $0x0  }
0x16: {  	s3 =	sld [smem:$0x3FDB];
	s0 =	simm.s32 @p2 $0x1  }
0x17: {  	s4 =	simm.s32 $0x1BF5;
	[smem:$0x3FB9] =	sst s0  }
0x18: {  	s0 =	sld [smem:$0x3F9C];
	_ =	swait.ge [sflag:s4], $0x0  }
0x19: {  	s7 =	sld [smem:$0x3F9D]  }
0x1a: {  	s8 =	sadd.s32 $0xFFFFE003, lr  }
0x1b: {  	s9 =	sadd.s32 $0xFFFFFEF7, lr;
	s5 =	simm.s32 $0xFFFFFFFF;
	p2 =	slt.u32 s8, $0xFFFFF086  }
0x1c: {  	p1 =	slt.u32 s9, $0xF7A;
	s5 =	simm.s32 @!p2 $0x0  }
0x1d: {  	s5 =	simm.s32 @p1 $0x1;
	p0 =	seq.s32 s7, s2  }
0x1e: {  	s7 =	smul.u32 @!p0 $0xF7A, s2;
	p2 =	seq.s32 @!p0 s5, $0x0  }
0x1f: {  	s9 =	smul.u32 $0xF7A, s1;
	s8 =	simm.s32 @!p0 $0x1BF5;
	p2 =	por !p2, p0  }
0x20: {  	[sflag:s8] =	ssyncset.s32 @!p0 $0xFFFFF086;
	s6 =	sadd.s32 @!p0 s3, s7;
	s7 =	simm.s32 @!p0 $0x108  }
0x21: {  	s3 =	sadd.s32 s3, s9;
	s6 =	sadd.s32 @!p0 $0x88, s6;
	s7 =	simm.s32 @p2 $0x1082  }
0x22: {  	[simem:s7], [sflag:s8] =	dma.local @!p0 [hbm:s6], $0xF7A  }
0x23: {  	s9 =	sor.u32 $0xD0000000, s2;
	s6 =	simm.s32 $0x108;
	_ =	swait.ge @!p0 [sflag:s8], $0x0  }
0x24: {  	s3 =	sadd.s32 $0x88, s3;
	s6 =	simm.s32 @!p1 $0x1082;
	[sflag:s4] =	ssyncset.s32 $0xFFFFF086  }
0x25: {  	[simem:s6], [sflag:s4] =	dma.local [hbm:s3], $0xF7A  }
0x26: {  	[smem:$0x3F9D] =	sst s1;
	(tag) =	ssettag s2;
	_ =	strace s9  }
0x27: {  	s1 =	sld [smem:$0x3FAD]  }
0x28: {  	s2 =	sld [smem:$0x3FAE]  }
0x29: {  	s4 =	sld [smem:$0x3FB0]  }
0x2a: {  	p0 =	seq.s32 s5, $0x0;
	s5 =	sld [smem:$0x3FB1]  }
0x2b: {  	s6 =	sld [smem:$0x3FB2]  }
0x2c: {  	s7 =	sld [smem:$0x3FB3]  }
0x2d: {  	s3 =	simm.s32 $0x108;
	s8 =	sld [smem:$0x3FB4]  }
0x2e: {  	s3 =	simm.s32 @!p0 $0x1082;
	s9 =	sld [smem:$0x3FB5]  }
0x2f: {  	lr =	sadd.s32 s0, s3;
	s0 =	sld [smem:$0x3FAC]  }
0x30: {  	s3 =	sld [smem:$0x3FAF]  }
0x31: {  	[smem:$0x3FB8] =	sst s10  }
0x32: {  	s10 =	sld [smem:$0x3FB6];
	_ =	sdelay $0x3  }
0x33: {  	p0 =	seq.s32 s10, $0x1;
	s10 =	sld [smem:$0x3FB8];
	_ =	sdelay $0x3  }
0x34: {  	[smem:$0x3FB8] =	sst s10  }
0x35: {  	s10 =	sld [smem:$0x3FB7];
	_ =	sdelay $0x3  }
0x36: {  	p1 =	seq.s32 s10, $0x1;
	s10 =	sld [smem:$0x3FB8];
	_ =	sdelay $0x3  }
0x37: {  	[smem:$0x3FB8] =	sst s10  }
0x38: {  	s10 =	sld [smem:$0x3FB9]  }
0x39: {  	_ = 	snop;
	(pc) =	sbr.ind lr, $3  }
0x3a: {  	_ = 	snop  }
0x3b: {  	_ = 	snop  }
0x3c: {  	p2 =	seq.s32 s10, $0x1;
	s10 =	sld [smem:$0x3FB8]  }
0x3d: {  	_ =	shalt  }
0x3e: {  	_ =	shalt  }
0x3f: {  	_ =	shalt  }
0x40: {  	_ =	shalt  }
0x41: {  	_ =	shalt  }
0x42: {  	_ =	shalt  }
0x43: {  	_ =	shalt  }
0x44: {  	_ =	shalt  }
0x45: {  	_ =	shalt  }
0x46: {  	_ =	shalt  }
0x47: {  	_ =	shalt  }
0x48: {  	_ =	shalt  }
0x49: {  	_ =	shalt  }
0x4a: {  	_ =	shalt  }
0x4b: {  	_ =	shalt  }
0x4c: {  	_ =	shalt  }
0x4d: {  	_ =	shalt  }
0x4e: {  	_ =	shalt  }
0x4f: {  	_ =	shalt  }
0x50: {  	_ =	shalt  }
0x51: {  	_ =	shalt  }
0x52: {  	_ =	shalt  }
0x53: {  	_ =	shalt  }
0x54: {  	_ =	shalt  }
0x55: {  	_ =	shalt  }
0x56: {  	_ =	shalt  }
0x57: {  	_ =	shalt  }
0x58: {  	_ =	shalt  }
0x59: {  	_ =	shalt  }
0x5a: {  	_ =	shalt  }
0x5b: {  	_ =	shalt  }
0x5c: {  	_ =	shalt  }
0x5d: {  	_ =	shalt  }
0x5e: {  	_ =	shalt  }
0x5f: {  	_ =	shalt  }
0x60: {  	_ =	shalt  }
0x61: {  	_ =	shalt  }
0x62: {  	_ =	shalt  }
0x63: {  	_ =	shalt  }
0x64: {  	_ =	shalt  }
0x65: {  	_ =	shalt  }
0x66: {  	_ =	shalt  }
0x67: {  	_ =	shalt  }
0x68: {  	_ =	shalt  }
0x69: {  	_ =	shalt  }
0x6a: {  	_ =	shalt  }
0x6b: {  	_ =	shalt  }
0x6c: {  	_ =	shalt  }
0x6d: {  	_ =	shalt  }
0x6e: {  	_ =	shalt  }
0x6f: {  	_ =	shalt  }
0x70: {  	_ =	shalt  }
0x71: {  	_ =	shalt  }
0x72: {  	_ =	shalt  }
0x73: {  	_ =	shalt  }
0x74: {  	_ =	shalt  }
0x75: {  	_ =	shalt  }
0x76: {  	_ =	shalt  }
0x77: {  	_ =	shalt  }
0x78: {  	_ =	shalt  }
0x79: {  	_ =	shalt  }
0x7a: {  	_ =	shalt  }
0x7b: {  	_ =	shalt  }
0x7c: {  	_ =	shalt  }
0x7d: {  	_ =	shalt  }
0x7e: {  	_ =	shalt  }
0x7f: {  	_ =	shalt  }
0x80: {  	_ =	shalt  }
0x81: {  	_ =	shalt  }
0x82: {  	_ =	shalt  }
0x83: {  	_ =	shalt  }
0x84: {  	_ =	shalt  }
0x85: {  	_ =	shalt  }
0x86: {  	_ =	shalt  }
0x87: {  	_ =	shalt  }
.Lfunc_end0:
.L_simem_size_0:
called_computation_lowered:
.L_overlay_start_0:
0x88: {  	s2 =	sld [smem:$0x3FD9]  }
0x89: {  	s3 =	sld [smem:$0x3FFE];
	_ =	sdelay $0x1  }
0x8a: {  	s1 =	srdreg.scid  }
0x8b: {  	s0 =	sand.u32 $0x1, s1  }
0x8c: {  	s14 =	sshll.u32 s0, $0xA;
	s2 =	sadd.s32 s3, s2  }
0x8d: {  	s2 =	sadd.s32 s2, s14  }
0x8e: {  	[smem:$0x3FC4] =	sst s2  }
0x8f: {  	_ = 	snop  }
0x90: {  	s2 =	sld [smem:$0x3FD0];
	_ =	sdelay $0x2  }
0x91: {  	s15 =	simm.s32 $0xA;
	s4 =	simm.s32 $0x10  }
0x92: {  	[smem:s4], [sflag:s15] =	dma.local [hbm:s2], $0x1  }
0x93: {  	_ =	swait.eq [sflag:s15], $0x1  }
0x94: {  	[sflag:s15] =	ssyncset.done $0x0  }
0x95: {  	s16 =	sld [smem:$0x10];
	[sflag:s15] =	ssyncadd.s32 $0xFFFFFFFF  }
0x96: {  	s17 =	sld [smem:$0x11];
	(tm) =	ssettm $0x1  }
0x97: {  	s18 =	sld [smem:$0x3FFB];
	_ =	sdelay $0x3  }
0x98: {  	_ =	strace s18  }
0x99: {  	s4 =	sld [smem:$0x3FFC];
	_ =	sdelay $0x3  }
0x9a: {  	_ =	strace s4  }
0x9b: {  	s4 =	sld [smem:$0x3FFD];
	_ =	sdelay $0x3  }
0x9c: {  	_ =	strace s4  }
0x9d: {  	_ =	strace $0x8FFFFFFF  }
0x9e: {  	s19 =	sld [smem:$0x3FDB];
	_ =	sdelay $0x1  }
0x9f: {  	s5 =	simm.s32 $_scs_section_size  }
0xa0: {  	s6 =	simm.s32 $_size__tile_overlayer_lowered;
	s7 =	simm.s32 $_tile_overlayer_lowered  }
0xa1: {  	s22 =	simm.s32 $0x1BFF;
	s21 =	sshll.u32 s7, $0x1;
	s4 =	sadd.s32 s5, s19  }
0xa2: {  	s8 =	simm.s32 $0x0;
	s20 =	sshll.u32 s6, $0x1;
	s6 =	sadd.s32 s21, s4  }
0xa3: {  	[timem:s8], [sflag:s22] =	dma.local [hbm:s6], s20  }
0xa4: {  	_ =	swait.ge [sflag:s22], s20  }
0xa5: {  	s5 =	ssub.s32 $0x0, s20;
	[sflag:s22] =	ssyncset.done $0x0  }
0xa6: {  	[sflag:s22] =	ssyncadd.s32 s5;
	_ =	sdelay $0x1  }
0xa7: {  	s23 =	simm.s32 $0x1B8B  }
0xa8: {  	_ =	swait.ge [sflag:s23], $0x1  }
0xa9: {  	[sflag:s23] =	ssyncset.done $0x0  }
0xaa: {  	s25 =	simm.s32 $0x1B8E;
	s24 =	sld [smem:$0x3FFE];
	[sflag:s23] =	ssyncadd.s32 $0xFFFFFFFF  }
0xab: {  	s26 =	simm.s32 $execute0_lowered;
	[smem:$0x3FD2] =	sst s25  }
0xac: {  	s6 =	sshll.u32 s26, $0x1;
	_ =	strace $0x80000046;
	[dreg:$0x1] =	wrdreg $0xFFFFFFFF  }
0xad: {  	s28 =	simm.s32 $_size_execute0_lowered;
	s4 =	sadd.s32 s4, s6;
	[dreg:$0x0] =	wrdreg $0x0  }
0xae: {  	s6 =	sshll.u32 s28, $0x1;
	[dreg:$0x2] =	wrdreg s4  }
0xaf: {  	[dreg:$0x3] =	wrdreg s6  }
0xb0: {  	[dreg:$0x4] =	wrdreg $0xC0  }
0xb1: {  	_ =	task [dreg:s8], $0x5FFFF  }
0xb2: {  	[dreg:$0x1] =	wrdreg $0xFFFFFFFF  }
0xb3: {  	[dreg:$0x0] =	wrdreg $0x60  }
0xb4: {  	[dreg:$0x2] =	wrdreg s17  }
0xb5: {  	[dreg:$0x3] =	wrdreg s16  }
0xb6: {  	[dreg:$0x4] =	wrdreg s24  }
0xb7: {  	[dreg:$0x5] =	wrdreg $0x9  }
0xb8: {  	_ =	task.clear_ibuf [dreg:s8], $0x6FFFF;
	_ =	strace $0x90000046  }
0xb9: {  	s29 =	simm.s32 $0x9;
	_ =	strace $0x80000048  }
0xba: {  	_ =	swait.ge [sflag:s29], $0x1  }
0xbb: {  	[sflag:s29] =	ssyncadd.s32 $0xFFFFFFFF  }
0xbc: {  	_ =	strace $0x90000048  }
0xbd: {  	_ =	sfence  }
0xbe: {  	s30 =	sld [smem:$0x0];
	_ =	sdelay $0x2  }
0xbf: {  	s31 =	sshll.u32 s1, $0xD;
	s1 =	sshrl.u32 s1, $0x2  }
0xc0: {  	s3 =	sand.u32 $0x4000, s31;
	s1 =	sadd.s32 s1, s30  }
0xc1: {  	s0 =	sor.u32 s3, s0;
	s1 =	sshll.u32 s1, $0x11  }
0xc2: {  	s0 =	sor.u32 s1, s0  }
0xc3: {  	s0 =	sadd.s32 $0x8F2B, s0  }
0xc4: {  	[sflag:s0] =	ssyncadd.remote.s32 $0x1  }
0xc5: {  	_ =	sfence.sel $0xFFFF  }
0xc6: {  	[dreg:$0x0] =	wrdreg $0xFFFFFFFF;
	(pc) =	sbr.abs _section_cstart, $3  }
0xc7: {  	[dreg:$0x1] =	wrdreg $0xFFFFFFFF  }
0xc8: {  	_ =	task.clear_ibuf [dreg:s8], $0x2FFFF;
	_ =	strace $0x9FFFFFFF  }
0xc9: {  	(tm) =	ssettm $0x7FFFFFFF  }
tec
execute0_lowered:
.L_overlay_start_1:
0x0: {  	(tag) =	ssettag $0x1  }
0x1: {  	s5 =	rddreg [dreg:$0x0]  }
0x2: {  	s1 =	rddreg [dreg:$0x1]  }
0x3: {  	s6 =	rddreg [dreg:$0x2]  }
0x4: {  	s0 =	rddreg [dreg:$0x3]  }
0x5: {  	s3 =	simm.s32 $0x0;
	s4 =	srdreg.scid;
	s2 =	stileid.u32  }
0x6: {  	s13 =	simm.s32 $0x1;
	s14 =	simm.s32 $0x200;
	s15 =	simm.s32 $0x400  }
0x7: {  	s16 =	simm.s32 $0x600;
	s17 =	simm.s32 $0x800;
	s18 =	simm.s32 $0xA00  }
0x8: {  	s19 =	simm.s32 $0xC00;
	s20 =	simm.s32 $0x10C00;
	s21 =	simm.s32 $0x10D00  }
0x9: {  	s22 =	simm.s32 $0x0;
	[smem:$0x7FF] =	sst s3;
	s7 =	sand.u32 $0x1, s4  }
0xa: {  	s8 =	sshll.u32 s2, $0x7;
	s4 =	sadd.s32 $0x1800, s6;
	s9 =	sshll.u32 s7, $0x6  }
.Ltmp0:
0xb: {  	s7 =	ssub.s32 $0x2, s7;
	s8 =	sor.u32 s9, s8;
	(pc) =	sbr.rel .LBB2_1-.Ltmp0, $4  }
0xc: {  	_ =	strace $0x80000047;
	s31 =	sshrl.u32 s7, $0x1;
	s5 =	sadd.s32 s5, s8  }
0xd: {  	s11 =	sadd.s32 s8, s6;
	s12 =	ssub.s32 s7, s31;
	s6 =	sadd.s32 $0x800, s5  }
0xe: {  	s7 =	sadd.s32 $0x1000, s5;
	s8 =	sadd.s32 $0x1800, s5;
	s9 =	sadd.s32 $0x2000, s5  }
0xf: {  	v0 =	vimm.f32 $0.0e+00;
	s10 =	sadd.s32 $0x2800, s5;
	s11 =	sadd.s32 $0x1A00, s11;
	s12 =	smax.u32 s12, $0x1  }
.LBB2_6:
0x10: {  	s22 =	sadd.s32 $0x1, s22  }
0x11: {  	p0 =	sne.s32 s22, s12  }
.Ltmp1:
0x12: {  	_ = 	snop;
	(pc) =	sbr.rel @!p0 .LBB2_7-.Ltmp1, $4  }
0x13: {  	[hbm4b:s11+s3] =	stream.linear.scatter [tilespmem:s21], [sflag:$0x1], $0x200, $0x38;
	[tilespmem:$0x10F00] =	vst v63  }
0x14: {  	_ =	swait.ge [sflag:s13], $0x200  }
0x15: {  	[sflag:s13] =	ssyncset.done $0x0  }
0x16: {  	[sflag:s13] =	ssyncadd.s32 $0xFFFFFE00  }
.LBB2_1:
0x17: {  	[tilespmem:s3], [sflag:$0x1] =	stream.linear.gather [hbm4b:s5+s3], $0x200, $0x38;
	[tilespmem:$0x10F00] =	vst v63  }
0x18: {  	_ =	swait.ge [sflag:s13], $0x200  }
0x19: {  	[sflag:s13] =	ssyncset.done $0x0  }
0x1a: {  	[sflag:s13] =	ssyncadd.s32 $0xFFFFFE00  }
0x1b: {  	[tilespmem:s14], [sflag:$0x1] =	stream.linear.gather [hbm4b:s6+s3], $0x200, $0x38;
	[tilespmem:$0x10F00] =	vst v63  }
0x1c: {  	_ =	swait.ge [sflag:s13], $0x200  }
0x1d: {  	[sflag:s13] =	ssyncset.done $0x0  }
0x1e: {  	[sflag:s13] =	ssyncadd.s32 $0xFFFFFE00  }
0x1f: {  	[tilespmem:s15], [sflag:$0x1] =	stream.linear.gather [hbm4b:s7+s3], $0x200, $0x38;
	[tilespmem:$0x10F00] =	vst v63  }
0x20: {  	_ =	swait.ge [sflag:s13], $0x200  }
0x21: {  	[sflag:s13] =	ssyncset.done $0x0  }
0x22: {  	[sflag:s13] =	ssyncadd.s32 $0xFFFFFE00  }
0x23: {  	[tilespmem:s16], [sflag:$0x1] =	stream.linear.gather [hbm4b:s8+s3], $0x200, $0x38;
	[tilespmem:$0x10F00] =	vst v63  }
0x24: {  	_ =	swait.ge [sflag:s13], $0x200  }
0x25: {  	[sflag:s13] =	ssyncset.done $0x0  }
0x26: {  	[sflag:s13] =	ssyncadd.s32 $0xFFFFFE00  }
0x27: {  	[tilespmem:s17], [sflag:$0x1] =	stream.linear.gather [hbm4b:s9+s3], $0x200, $0x38;
	[tilespmem:$0x10F00] =	vst v63  }
0x28: {  	_ =	swait.ge [sflag:s13], $0x200  }
0x29: {  	[sflag:s13] =	ssyncset.done $0x0  }
0x2a: {  	[sflag:s13] =	ssyncadd.s32 $0xFFFFFE00  }
0x2b: {  	[tilespmem:s18], [sflag:$0x1] =	stream.linear.gather [hbm4b:s10+s3], $0x200, $0x38;
	[tilespmem:$0x10F00] =	vst v63  }
0x2c: {  	_ =	swait.ge [sflag:s13], $0x200  }
0x2d: {  	[sflag:s13] =	ssyncset.done $0x0  }
0x2e: {  	[sflag:s13] =	ssyncadd.s32 $0xFFFFFE00  }
0x2f: {  	[tilespmem:s19], [sflag:$0x1] =	stream.linear.gather [hbm4b:s1+s3], $0x10000, $0x38;
	[tilespmem:$0x10F00] =	vst v63  }
0x30: {  	_ =	swait.ge [sflag:s13], $0x10000  }
0x31: {  	[sflag:s13] =	ssyncset.done $0x0  }
.Ltmp2:
0x32: {  	[sflag:s13] =	ssyncadd.s32 $0xFFFF0000;
	(pc) =	sbr.rel .LBB2_2-.Ltmp2, $4  }
0x33: {  	[tilespmem:s20], [sflag:$0x1] =	stream.linear.gather [hbm4b:s4+s3], $0x100, $0x38;
	[tilespmem:$0x10F00] =	vst v63  }
0x34: {  	_ =	swait.ge [sflag:s13], $0x100  }
0x35: {  	[sflag:s13] =	ssyncset.done $0x0  }
0x36: {  	s23 =	simm.s32 $0x0;
	[sflag:s13] =	ssyncadd.s32 $0xFFFFFF00  }
.LBB2_5:
0x37: {  	s23 =	sadd.s32 $0x1, s23  }
0x38: {  	p0 =	sne.s32 s23, $0x20  }
.Ltmp3:
0x39: {  	_ = 	snop;
	(pc) =	sbr.rel @!p0 .LBB2_6-.Ltmp3, $2  }
0x3a: {  	_ =	sdelay $0x2  }
0x3b: {  	[tilespmem:s24+$0x10D00] =	vst v2  }
.LBB2_2:
0x3c: {  	s24 =	sshll.u32 s23, $0x4  }
0x3d: {  	v6 =	vld [tilespmem:s24+$0x600];
	_ =	sdelay $0x1  }
0x3e: {  	v7 =	vld [tilespmem:s24+$0x800]  }
0x3f: {  	v8 =	vld [tilespmem:s24+$0xA00];
	_ =	sdelay $0x1  }
0x40: {  	v1 =	vand.u32 $0x7FFFFFFF, v6  }
0x41: {  	v1 =	vmax.f32 v1, $9.999999960e-13  }
0x42: {  	v3 =	vand.u32 $0x7FFFFFFF, v7;
	v2 =	vsub.f32 $0.0e+00, v1  }
0x43: {  	vm0 =	vlt.f32 v6, $0.0e+00;
	v4 =	vand.u32 $0x7FFFFFFF, v8;
	v3 =	vmax.f32 v3, $9.999999960e-13  }
0x44: {  	v4 =	vmax.f32 v4, $9.999999960e-13;
	v1 =	vsel vm0, v2, v1;
	v2 =	vsub.f32 $0.0e+00, v3  }
0x45: {  	vm0 =	vlt.f32 v7, $0.0e+00;
	(erf) = vrcp.f32 v1;
	v1 =	vsub.f32 $0.0e+00, v4  }
0x46: {  	v2 =	vsel vm0, v2, v3;
	vm0 =	vlt.f32 v8, $0.0e+00  }
0x47: {  	(erf) = vrcp.f32 v2;
	v1 =	vsel vm0, v1, v4  }
0x48: {  	v5 =	vld [tilespmem:s24+$0x400];
	(erf) = vrcp.f32 v1  }
0x49: {  	v3 =	vld [tilespmem:s24+$0x0]  }
0x4a: {  	v4 =	vld [tilespmem:s24+$0x200];
	_ =	sdelay $0x2  }
0x4b: {  	v13 =	vsub.f32 $1.501000050e+00, v5  }
0x4c: {  	v1 =	vsub.f32 $-1.501000050e+00, v3;
	v9 =	vsub.f32 $1.501000050e+00, v3  }
0x4d: {  	v10 =	vsub.f32 $-1.501000050e+00, v4;
	v11 =	vsub.f32 $1.501000050e+00, v4;
	v2 =	vpop (erf)  }
0x4e: {  	v1 =	vmul.f32 v2, v1;
	v2 =	vmul.f32 v2, v9;
	v9 =	vsub.f32 $-1.501000050e+00, v5;
	v12 =	vpop (erf)  }
0x4f: {  	v14 =	vpop (erf);
	v10 =	vmul.f32 v12, v10;
	v11 =	vmul.f32 v12, v11  }
0x50: {  	v9 =	vmul.f32 v14, v9;
	v60 =	vmul.f32 v14, v13  }
0x51: {  	v61 =	vmin.f32 v1, v2;
	v62 =	vmin.f32 v10, v11  }
0x52: {  	v1 =	vmax.f32 v1, v2;
	v13 =	vmax.f32 v61, v62;
	v63 =	vmin.f32 v9, v60  }
0x53: {  	v2 =	vmax.f32 v10, v11;
	v9 =	vmax.f32 v9, v60;
	v13 =	vmax.f32 v13, v63  }
0x54: {  	v1 =	vmin.f32 v1, v2;
	v2 =	vmin.f32 v9, $6.000000000e+00;
	v9 =	vadd.f32 $-2.000000000e+00, v13  }
0x55: {  	v1 =	vmin.f32 v1, v2  }
0x56: {  	v2 =	vadd.f32 $-2.000000000e+00, v1;
	v9 =	vmul.f32 $4.926722340e+01, v9;
	_ =	sdelay $0x1  }
0x57: {  	v2 =	vmul.f32 $4.926722340e+01, v2;
	v9 =	vtrunc.f32 v9  }
0x58: {  	v9 =	vcvt.f32.s32 v9  }
0x59: {  	v2 =	vtrunc.f32 v2  }
0x5a: {  	v2 =	vcvt.f32.s32 v2;
	v9 =	vadd.s32 $0xFFFFFFFF, v9  }
0x5b: {  	vm0 =	vgt.s32 v9, $0x1  }
0x5c: {  	vm1 =	vle.f32 v13, v1;
	v2 =	vadd.s32 $0x2, v2;
	v9 =	vnsel vm0, $0x1, v9  }
0x5d: {  	vm0 =	vge.f32 v1, $2.000000000e+00;
	vm2 =	vlt.s32 v2, $0xC6;
	v1 =	vmin.u32 v9, $0xC6  }
0x5e: {  	vm0 =	vmand vm1, vm0;
	v2 =	vnsel vm2, $0xC6, v2;
	v1 =	vadd.s32 $0xFFFFFFFF, v1  }
0x5f: {  	v2 =	vnsel vm0, $0x0, v2;
	_ =	sdelay $0x3  }
0x60: {  	v9 =	vld.idx.msk [tilespmem:v1+s20+$0x0], $0xffff  }
0x61: {  	v1 =	vld.idx.msk [tilespmem:v2+s20+$0x0], $0xffff;
	_ =	sdelay $0x4  }
0x62: {  	vm1 =	vlt.f32 v9, v1  }
0x63: {  	vm1 =	vmand vm0, vm1  }
0x64: {  	v2 =	vsel vm1, $0x3F800000, v0  }
0x65: {  	(xrf0) =	vmax.scan.msk.f32 $0xffff, v2;
	_ =	sdelay $0x5  }
0x66: {  	v2, _, _ =	vpop (xrf0)  }
0x67: {  	(v2sf) =	vpush v2, $0xF;
	_ =	sdelay $0xe  }
0x68: {  	s25 =	spop (v2sf)  }
0x69: {  	p0 =	sgt.f32 s25, $0.0e+00  }
.Ltmp4:
0x6a: {  	_ = 	snop;
	(pc) =	sbr.rel @!p0 .LBB2_5-.Ltmp4, $2  }
0x6b: {  	_ =	sdelay $0x2  }
0x6c: {  	v2 =	vimm.f32 $2.000000000e+00  }
0x6d: {  	v3 =	vadd.f32 $1.500000000e+00, v3;
	v4 =	vadd.f32 $1.500000000e+00, v4  }
0x6e: {  	v5 =	vadd.f32 $1.500000000e+00, v5;
	v6 =	vmul.f32 $4.266666790e+01, v6;
	v7 =	vmul.f32 $4.266666790e+01, v7  }
0x6f: {  	v8 =	vmul.f32 $4.266666790e+01, v8;
	v3 =	vmul.f32 $4.266666790e+01, v3  }
0x70: {  	v4 =	vmul.f32 $4.266666790e+01, v4;
	v5 =	vmul.f32 $4.266666790e+01, v5  }
.LBB2_4:
0x71: {  	v10 =	vadd.f32 $2.029746960e-02, v9;
	_ =	sdelay $0x1  }
0x72: {  	v9 =	vmul.f32 v10, v6;
	v11 =	vmul.f32 v10, v7;
	_ =	sdelay $0x1  }
0x73: {  	v9 =	vadd.f32 v9, v3;
	v13 =	vadd.f32 v11, v4  }
0x74: {  	v12 =	vmul.f32 v10, v8;
	v11 =	vadd.f32 $2.029746960e-02, v10  }
0x75: {  	v14 =	vmin.f32 v9, v13;
	v15 =	vmax.f32 v9, v13;
	v9 =	vtrunc.f32 v9  }
0x76: {  	v12 =	vadd.f32 v12, v5;
	v13 =	vtrunc.f32 v13;
	v18 =	vmul.f32 v11, v6  }
0x77: {  	v29 =	vadd.f32 $2.029746960e-02, v11;
	v19 =	vmul.f32 v11, v7;
	v20 =	vmul.f32 v11, v8  }
0x78: {  	v14 =	vmin.f32 v14, v12;
	v15 =	vmax.f32 v15, v12;
	v12 =	vtrunc.f32 v12  }
0x79: {  	v30 =	vcvt.f32.s32 v9;
	v13 =	vcvt.f32.s32 v13;
	vm1 =	vge.f32 v14, $0.0e+00  }
0x7a: {  	vm2 =	vlt.f32 v15, $1.280000000e+02;
	v28 =	vcvt.f32.s32 v12;
	v9 =	vadd.f32 $2.029746960e-02, v29  }
0x7b: {  	v18 =	vadd.f32 v18, v3;
	v19 =	vadd.f32 v19, v4;
	v38 =	vmul.f32 v29, v6  }
0x7c: {  	v31 =	vadd.f32 v20, v5;
	v39 =	vmul.f32 v29, v7;
	v22 =	vmul.f32 v29, v8  }
0x7d: {  	vm1 =	vmand vm1, vm2;
	v17 =	vshll.u32 v30, $0xE;
	v13 =	vshll.u32 v13, $0x7  }
0x7e: {  	v14 =	vnsel vm1, $0x0, v28;
	v17 =	vand.u32 $0xC000, v17;
	v13 =	vnsel vm1, $0x0, v13  }
0x7f: {  	v32 =	vmin.f32 v18, v19;
	v33 =	vmax.f32 v18, v19;
	v36 =	vtrunc.f32 v18  }
0x80: {  	v37 =	vtrunc.f32 v19;
	v18 =	vadd.f32 v38, v3;
	v19 =	vadd.f32 v39, v4  }
0x81: {  	v22 =	vadd.f32 v22, v5;
	v48 =	vmul.f32 v9, v6;
	v49 =	vmul.f32 v9, v7  }
0x82: {  	v23 =	vmul.f32 v9, v8;
	v16 =	vand.u32 $0xFFFFFF80, v14;
	v14 =	vand.u32 $0x7F, v14  }
0x83: {  	v13 =	vadd.s32 v17, v13;
	v34 =	vmin.f32 v32, v31;
	v35 =	vmax.f32 v33, v31  }
0x84: {  	v17 =	vtrunc.f32 v31;
	v13 =	vadd.s32 v16, v13;
	vm2 =	vge.f32 v34, $0.0e+00  }
0x85: {  	vm3 =	vlt.f32 v35, $1.280000000e+02;
	v17 =	vcvt.f32.s32 v17;
	v16 =	vcvt.f32.s32 v37  }
0x86: {  	v41 =	vmin.f32 v18, v19;
	v43 =	vmax.f32 v18, v19;
	v44 =	vtrunc.f32 v22  }
0x87: {  	v18 =	vtrunc.f32 v18;
	v19 =	vtrunc.f32 v19;
	v23 =	vadd.f32 v23, v5  }
0x88: {  	v13 =	vor.u32 v14, v13;
	vm2 =	vmand vm2, vm3;
	v14 =	vcvt.f32.s32 v36  }
0x89: {  	v42 =	vmin.f32 v41, v22;
	v20 =	vcvt.f32.s32 v44;
	v18 =	vcvt.f32.s32 v18  }
0x8a: {  	v45 =	vcvt.f32.s32 v19;
	v17 =	vnsel vm2, $0x0, v17;
	v16 =	vshll.u32 v16, $0x7  }
0x8b: {  	vm3 =	vge.f32 v42, $0.0e+00;
	v40 =	vand.u32 $0xFFFFFF80, v17;
	v21 =	vshll.u32 v14, $0xE  }
0x8c: {  	v16 =	vnsel vm2, $0x0, v16;
	v17 =	vand.u32 $0x7F, v17;
	v21 =	vand.u32 $0xC000, v21  }
0x8d: {  	v47 =	vshll.u32 v18, $0xE;
	v16 =	vadd.s32 v21, v16;
	v21 =	vmax.f32 v43, v22  }
0x8e: {  	v22 =	vadd.f32 v49, v4;
	v16 =	vadd.s32 v40, v16;
	vm4 =	vlt.f32 v21, $1.280000000e+02  }
0x8f: {  	v21 =	vadd.f32 v48, v3;
	vm3 =	vmand vm3, vm4;
	v16 =	vor.u32 v17, v16  }
0x90: {  	v17 =	vshll.u32 v45, $0x7;
	v46 =	vnsel vm3, $0x0, v20;
	v20 =	vand.u32 $0xC000, v47  }
0x91: {  	v17 =	vnsel vm3, $0x0, v17;
	v51 =	vmin.f32 v21, v22;
	v53 =	vtrunc.f32 v21  }
0x92: {  	v21 =	vmax.f32 v21, v22;
	v22 =	vtrunc.f32 v22;
	v17 =	vadd.s32 v20, v17  }
0x93: {  	v50 =	vand.u32 $0xFFFFFF80, v46;
	v19 =	vand.u32 $0x7F, v46;
	v52 =	vmin.f32 v51, v23  }
0x94: {  	v20 =	vcvt.f32.s32 v53;
	v21 =	vmax.f32 v21, v23;
	v22 =	vcvt.f32.s32 v22  }
0x95: {  	v23 =	vtrunc.f32 v23;
	v17 =	vadd.s32 v50, v17;
	vm14 =	vge.f32 v52, $0.0e+00  }
0x96: {  	vm5 =	vlt.f32 v21, $1.280000000e+02;
	v54 =	vcvt.f32.s32 v23;
	v17 =	vor.u32 v19, v17  }
0x97: {  	vm4 =	vmand vm14, vm5;
	v55 =	vshll.u32 v20, $0xE;
	v22 =	vshll.u32 v22, $0x7  }
0x98: {  	v19 =	vnsel vm4, $0x0, v54;
	v21 =	vand.u32 $0xC000, v55;
	v22 =	vnsel vm4, $0x0, v22  }
0x99: {  	v13 =	vld.idx.msk [tilespmem:v13+s19+$0x0], $0xffff;
	v21 =	vadd.s32 v21, v22;
	v56 =	vand.u32 $0xFFFFFF80, v19  }
0x9a: {  	v19 =	vand.u32 $0x7F, v19;
	v21 =	vadd.s32 v56, v21  }
0x9b: {  	v19 =	vor.u32 v19, v21  }
0x9c: {  	v15 =	vshrl.u32 v30, $0x2;
	v16 =	vld.idx.msk [tilespmem:v16+s19+$0x0], $0xffff  }
0x9d: {  	vm7 =	vlt.f32 v10, $6.039207940e+00;
	vm11 =	vlt.f32 v11, $6.039207940e+00;
	v15 =	vand.u32 $0x1F, v15  }
0x9e: {  	vm12 =	vlt.f32 v29, $6.039207940e+00;
	v14 =	vshrl.u32 v14, $0x2;
	v13 =	vshrl.u32 v13, v15;
	v17 =	vld.idx.msk [tilespmem:v17+s19+$0x0], $0xffff  }
0x9f: {  	v57 =	vshrl.u32 v18, $0x2;
	v14 =	vand.u32 $0x1F, v14;
	v13 =	vand.u32 $0x1, v13  }
0xa0: {  	v15 =	vand.u32 $0x1F, v57;
	v60 =	vshrl.u32 v20, $0x2;
	vm15 =	veq.s32 v13, $0x1;
	v58 =	vld.idx.msk [tilespmem:v19+s19+$0x0], $0xffff  }
0xa1: {  	vm14 =	vlt.f32 v9, $6.039207940e+00;
	vm5 =	vmand vm7, vm15;
	v14 =	vshrl.u32 v16, v14  }
0xa2: {  	v61 =	vand.u32 $0x1F, v60;
	vm1 =	vmand vm1, vm5;
	v14 =	vand.u32 $0x1, v14  }
0xa3: {  	vm1 =	vmand vm0, vm1;
	vm6 =	veq.s32 v14, $0x1;
	v59 =	vshrl.u32 v17, v15  }
0xa4: {  	vm0 =	vmxor vm0, vm1;
	vm5 =	vmand vm11, vm6;
	v13 =	vand.u32 $0x1, v59  }
0xa5: {  	vm2 =	vmand vm2, vm5;
	vm8 =	veq.s32 v13, $0x1;
	v13 =	vshrl.u32 v58, v61  }
0xa6: {  	vm2 =	vmand vm2, vm0;
	vm5 =	vmand vm12, vm8;
	v13 =	vand.u32 $0x1, v13  }
0xa7: {  	vm0 =	vmxor vm0, vm2;
	vm3 =	vmand vm3, vm5;
	vm13 =	veq.s32 v13, $0x1  }
0xa8: {  	vm3 =	vmand vm3, vm0;
	vm5 =	vmand vm14, vm13  }
0xa9: {  	vm0 =	vmxor vm0, vm3;
	vm4 =	vmand vm4, vm5  }
0xaa: {  	vm4 =	vmand vm4, vm0  }
0xab: {  	vm15 =	vlt.f32 v9, v1;
	vm0 =	vmxor vm0, vm4  }
0xac: {  	vm5 =	vmand vm0, vm15  }
0xad: {  	v62 =	vsel vm5, $0x3F800000, v0  }
0xae: {  	(xrf0) =	vmax.scan.msk.f32 $0xffff, v62;
	_ =	sdelay $0x5  }
0xaf: {  	v13, _, _ =	vpop (xrf0)  }
0xb0: {  	(v2sf) =	vpush v13, $0xF;
	_ =	sdelay $0xe  }
0xb1: {  	v63 =	vadd.f32 $-2.029746960e-02, v9;
	s25 =	spop (v2sf)  }
0xb2: {  	v12 =	vadd.f32 $-2.029746960e-02, v29;
	p0 =	sgt.f32 s25, $0.0e+00  }
.Ltmp5:
0xb3: {  	v11 =	vadd.f32 $-2.029746960e-02, v11;
	v13 =	vmax.f32 v63, $2.000000000e+00;
	(pc) =	sbr.rel @p0 .LBB2_4-.Ltmp5, $4  }
0xb4: {  	v10 =	vadd.f32 $-2.029746960e-02, v10;
	v12 =	vmax.f32 v12, $2.000000000e+00;
	v2 =	vsel vm4, v13, v2  }
0xb5: {  	v11 =	vmax.f32 v11, $2.000000000e+00;
	v2 =	vsel vm3, v12, v2  }
0xb6: {  	v10 =	vmax.f32 v10, $2.000000000e+00;
	v2 =	vsel vm2, v11, v2  }
0xb7: {  	v2 =	vsel vm1, v10, v2  }
.Ltmp6:
0xb8: {  	_ = 	snop;
	(pc) =	sbr.rel .LBB2_5-.Ltmp6, $1  }
0xb9: {  	_ =	sdelay $0x3  }
.LBB2_7:
0xba: {  	_ =	sfence.sel $0x180000  }
0xbb: {  	[bflag:$0x0] =	sbarrier.arrive $0xFFFF  }
0xbc: {  	p0 =	sne.s32 s2, $0x0;
	_ =	strace $0x90000047  }
0xbd: {  	s0 =	sadd.s32 @!p0 $0x100000, s0;
	[bflag:$0x2] =	sbarrier.arrive $0xFFFF  }
0xbe: {  	[sflag:s0] =	ssyncadd.tile.s32 @!p0 $0x1;
	_ =	shalt  }
.Lfunc_end2:
_tile_overlayer_lowered:
.L_overlay_start_2:
0xbf: {  	(tag) =	ssettag $0x2  }
0xc0: {  	s0 =	rddreg [dreg:$0x0];
	s2 =	stileid.u32  }
0xc1: {  	s1 =	rddreg [dreg:$0x1];
	p0 =	sne.s32 s2, $0x0  }
0xc2: {  	s3 =	rddreg [dreg:$0x2];
	[bflag:$0x3] =	sbarrier.arrive $0xFFFF;
	s2 =	simm.s32 @!p0 $0x1C01  }
0xc3: {  	[timem:s3], [sflag:s2] =	dma.local @!p0 [hbm:s0], s1  }
0xc4: {  	s0 =	simm.s32 @!p0 $0x1  }
0xc5: {  	_ =	swait.ge @!p0 [sflag:s0], s1  }
0xc6: {  	s1 =	ssub.s32 @!p0 $0x0, s1;
	[sflag:s0] =	ssyncset.done @!p0 $0x0  }
0xc7: {  	[sflag:s0] =	ssyncadd.s32 @!p0 s1  }
0xc8: {  	[bflag:$0x3] =	sbarrier.arrive $0xFFFF  }
0xc9: {  	_ =	shalt  }

</sc_bundles>
